<compile_context>
chip_gen: v7x
topology: tpu7x:2x2x1
jax: 0.10.2.dev20260603
libtpu: 0.0.44.dev20260713+nightly
codegen_flags: <defaults>
</compile_context>

<pallas_src>
import functools

import jax
import jax.numpy as jnp
from jax import lax
from jax.experimental import pallas as pl
from jax.experimental.pallas import tpu as pltpu
from jax.experimental.pallas import tpu_sc as plsc

_POOL = 64
_LEN = 16
_DIM = 4096
_K = 8
_B = 4
_NW = 32
_CH = 8
_NCH = _LEN // _CH


def _row_ss(a):
    y = a * a
    acc = y[:, 0:128]
    for i in range(1, 32):
        acc = acc + y[:, i * 128:(i + 1) * 128]
    b = acc[:, 0:8]
    for j in range(1, 16):
        b = b + acc[:, j * 8:(j + 1) * 8]
    u = b[:, 0:4] + b[:, 4:8]
    t2 = u[:, 0:2] + u[:, 2:4]
    return t2[:, 0:1] + t2[:, 1:2]


def _norms_and_topk(cls_ref, pk_ref):
    x = cls_ref[...]
    xn = x * lax.rsqrt(jnp.maximum(_row_ss(x), 1e-12))
    pk = pk_ref[...]
    pkn = pk * lax.rsqrt(jnp.maximum(_row_ss(pk), 1e-12))
    sim = lax.dot_general(
        xn, pkn, (((1,), (1,)), ((), ())),
        preferred_element_type=jnp.float32,
    )
    colid = lax.broadcasted_iota(jnp.int32, (_B, _POOL), 1)
    s = sim
    iks, chosens = [], []
    for k in range(_K):
        m = jnp.max(s, axis=1, keepdims=True)
        cand = jnp.where(s >= m, colid, _POOL)
        ik = jnp.min(cand, axis=1, keepdims=True)
        chosen = colid == ik
        s = jnp.where(chosen, -jnp.inf, s)
        iks.append(ik)
        chosens.append(chosen)
    return xn, pkn, iks, chosens


def _idx_body(cls_ref, pk_ref, idxrows_ref):
    _, _, iks, _ = _norms_and_topk(cls_ref, pk_ref)
    kid16 = lax.broadcasted_iota(jnp.int32, (_B, _K, _NCH, _CH), 1)
    liota = (lax.broadcasted_iota(jnp.int32, (_B, _K, _NCH, _CH), 2) * _CH
             + lax.broadcasted_iota(jnp.int32, (_B, _K, _NCH, _CH), 3))
    pid = jnp.zeros((_B, _K, _NCH, _CH), jnp.int32)
    for k in range(_K):
        pid = jnp.where(kid16 == k, iks[k][:, :, None, None], pid)
    idxrows_ref[...] = pid * _LEN + liota


def _simout_body(cls_ref, pk_ref, sim_ref):
    xn, pkn, _, chosens = _norms_and_topk(cls_ref, pk_ref)
    kid = lax.broadcasted_iota(jnp.int32, (_B, _K, _POOL), 1)
    oh = jnp.zeros((_B, _K, _POOL), jnp.float32)
    for k in range(_K):
        oh = jnp.where(kid == k, chosens[k][:, None, :].astype(jnp.float32), oh)
    rows = lax.dot_general(
        oh.reshape(_B * _K, _POOL), pkn, (((1,), (0,)), ((), ())),
        preferred_element_type=jnp.float32, precision=lax.Precision.HIGHEST,
    )
    sim_ref[...] = rows.reshape(_B, _K, _DIM) * xn[:, None, :]


def _select_idx(cls_features, prompt_key):
    return pl.pallas_call(
        _idx_body,
        out_shape=jax.ShapeDtypeStruct((_B, _K, _NCH, _CH), jnp.int32),
    )(cls_features, prompt_key)


def _select_simout(cls_features, prompt_key):
    return pl.pallas_call(
        _simout_body,
        out_shape=jax.ShapeDtypeStruct((_B, _K, _DIM), jnp.float32),
    )(cls_features, prompt_key)


@functools.cache
def _make_gather_sc():
    @functools.partial(
        pl.kernel,
        mesh=plsc.VectorSubcoreMesh(core_axis_name="c", subcore_axis_name="s"),
        out_type=jax.ShapeDtypeStruct((_B * _K * _LEN, _DIM), jnp.float32),
        scratch_types=[
            pltpu.VMEM((_NCH, _CH), jnp.int32),
            pltpu.VMEM((_NCH, _CH, _DIM), jnp.float32),
        ] + [pltpu.SemaphoreType.DMA] * (2 * _NCH),
    )
    def _gather_sc(idxrows_hbm, table_hbm, out_hbm, rowidx_v, rows_v, *sems):
        gsems, wsems = sems[:_NCH], sems[_NCH:]
        wid = lax.axis_index("s") * 2 + lax.axis_index("c")
        pltpu.sync_copy(idxrows_hbm.at[wid // _K, wid % _K], rowidx_v)
        gathers = []
        for c in range(_NCH):
            gathers.append(pltpu.async_copy(
                table_hbm.at[rowidx_v.at[c]],
                rows_v.at[c], gsems[c]))
        writes = []
        for c in range(_NCH):
            gathers[c].wait()
            writes.append(pltpu.async_copy(
                rows_v.at[c],
                out_hbm.at[pl.ds(wid * _LEN + c * _CH, _CH)], wsems[c]))
        for wdma in writes:
            wdma.wait()

    return _gather_sc


def kernel(x_embed, cls_features, prompt, prompt_key):
    del x_embed
    idxrows = _select_idx(cls_features, prompt_key)
    table = prompt.reshape(_POOL * _LEN, _DIM)
    bp = _make_gather_sc()(idxrows, table)
    sim_out = _select_simout(cls_features, prompt_key)
    return (bp.reshape(_B, _K * _LEN, _DIM), sim_out)

# --- scband reference (transcript-rebuilt; emitter-appended) ---
"""Pipeline reference for scband-ins-prompts-3246995276347 (READ-ONLY COPY).

The authoritative reference and input builder live on the scoring server;
editing this copy changes nothing except your own understanding.
"""

import jax, jax.numpy as jnp
import numpy as np

POOL_SIZE = 64
LENGTH = 16
EMBED_DIM = 4096
TOP_K = 8


def l2_normalize(x, axis=None, epsilon=1e-12):
    square_sum = jnp.sum(jnp.square(x), axis=axis, keepdims=True)
    x_inv_norm = jax.lax.rsqrt(jnp.maximum(square_sum, epsilon))
    return x * x_inv_norm


def setup_inputs(seed: int = 0) -> dict:
    key = jax.random.key(seed)
    k1, k2, k3, k4 = jax.random.split(key, 4)
    x_embed = jax.random.normal(k1, (4, 2048, EMBED_DIM), dtype=jnp.float32)
    cls_features = jax.random.normal(k2, (4, EMBED_DIM), dtype=jnp.float32)
    # learned parameters, matching torch init: Uniform(0,1) * 0.01
    prompt = jax.random.uniform(k3, (POOL_SIZE, LENGTH, EMBED_DIM), dtype=jnp.float32) * 0.01
    prompt_key = jax.random.uniform(k4, (POOL_SIZE, EMBED_DIM), dtype=jnp.float32) * 0.01
    return {"x_embed": x_embed, "cls_features": cls_features, "prompt": prompt, "prompt_key": prompt_key}


def reference(x_embed, cls_features, prompt, prompt_key):
    # embedding_key == 'cls' and cls_features is provided
    x_embed_mean = cls_features
    prompt_norm = l2_normalize(prompt_key, axis=1)          # [P, D]
    x_embed_norm = l2_normalize(x_embed_mean, axis=1)       # [B, D]
    sim = jnp.matmul(x_embed_norm, prompt_norm.T)           # [B, P]
    _, idx = jax.lax.top_k(sim, TOP_K)                      # [B, K]
    # gather selected prompts
    batched_prompt_raw = jnp.take(prompt, idx.reshape(-1), axis=0).reshape(idx.shape + prompt.shape[1:])  # [B, K, L, D]
    bs, allowed_size, prompt_len, embed_dim = batched_prompt_raw.shape
    batched_prompt = jnp.reshape(batched_prompt_raw, (bs, allowed_size * prompt_len, embed_dim))  # [B, K*L, D]
    batched_key_norm = jnp.take(prompt_norm, idx.reshape(-1), axis=0).reshape(idx.shape + (prompt_norm.shape[1],))  # [B, K, D]
    x_embed_norm_e = x_embed_norm[:, None, :]               # [B, 1, D]
    sim_out = batched_key_norm * x_embed_norm_e             # [B, K, D]
    return (batched_prompt, sim_out)

if __name__ == "__main__":
    import jax
    _d = setup_inputs()
    print(jax.jit(kernel)(*tuple(_d.values())))

</pallas_src>

<mosaic_0001>
#map = affine_map<(d0, d1) -> (0, 0, 0, 0)>
#map1 = affine_map<(d0, d1) -> (0, 0)>
module attributes {stable_mosaic.version = 14 : i64} {
  func.func @_gather_sc(%arg0: i32, %arg1: i32, %arg2: memref<4x8x2x8xi32, #tpu.memory_space<hbm>>, %arg3: memref<1024x4096xf32, #tpu.memory_space<hbm>>, %arg4: memref<512x4096xf32, #tpu.memory_space<hbm>>, %arg5: memref<2x8xi32, #tpu.memory_space<vmem>>, %arg6: memref<2x8x4096xf32, #tpu.memory_space<vmem>>, %arg7: memref<!tpu.dma_semaphore, #tpu.memory_space<semaphore_mem>>, %arg8: memref<!tpu.dma_semaphore, #tpu.memory_space<semaphore_mem>>, %arg9: memref<!tpu.dma_semaphore, #tpu.memory_space<semaphore_mem>>, %arg10: memref<!tpu.dma_semaphore, #tpu.memory_space<semaphore_mem>>) attributes {dimension_semantics = [#tpu.dimension_semantics<core_parallel>, #tpu.dimension_semantics<subcore_parallel>], iteration_bounds = array<i64: 2, 16>, scalar_prefetch = 0 : i64, scratch_operands = 6 : i64, tpu.core_type = #tpu.core_type<sc_vector_subcore>, window_params = [{transform_indices = #map}, {transform_indices = #map1}, {transform_indices = #map1}]} {
    %mul3A = arith.constant 2 : i32
    %mul3A_0 = arith.muli %arg1, %mul3A : i32
    %add3A = arith.addi %mul3A_0, %arg0 : i32
    %jit3A = arith.constant 8 : i32
    %div3A = arith.divsi %add3A, %jit3A : i32
    %sign3A = arith.constant 0 : i32
    %sign3A_1 = arith.cmpi sgt, %add3A, %sign3A : i32
    %sign3A_2 = arith.extui %sign3A_1 : i1 to i32
    %sign3A_3 = arith.constant 0 : i32
    %sign3A_4 = arith.cmpi slt, %add3A, %sign3A_3 : i32
    %sign3A_5 = arith.extui %sign3A_4 : i1 to i32
    %sign3A_6 = arith.subi %sign3A_2, %sign3A_5 : i32
    %sign3A_7 = arith.constant 0 : i32
    %sign3A_8 = arith.cmpi sgt, %jit3A, %sign3A_7 : i32
    %sign3A_9 = arith.extui %sign3A_8 : i1 to i32
    %sign3A_10 = arith.constant 0 : i32
    %sign3A_11 = arith.cmpi slt, %jit3A, %sign3A_10 : i32
    %sign3A_12 = arith.extui %sign3A_11 : i1 to i32
    %sign3A_13 = arith.subi %sign3A_9, %sign3A_12 : i32
    %ne3A = arith.cmpi ne, %sign3A_6, %sign3A_13 : i32
    %rem3A = arith.remsi %add3A, %jit3A : i32
    %ne3A_14 = arith.constant 0 : i32
    %ne3A_15 = arith.cmpi ne, %rem3A, %ne3A_14 : i32
    %and3A = arith.andi %ne3A, %ne3A_15 : i1
    %sub3A = arith.constant 1 : i32
    %sub3A_16 = arith.subi %div3A, %sub3A : i32
    %select_n3A = arith.select %and3A, %sub3A_16, %div3A : i32
    %jit3A_17 = arith.constant 8 : i32
    %eq3A = arith.constant 0 : i32
    %eq3A_18 = arith.cmpi eq, %jit3A_17, %eq3A : i32
    %jit3A_19 = arith.constant 1 : i32
    %select_n3A_20 = arith.select %eq3A_18, %jit3A_19, %jit3A_17 : i32
    %rem3A_21 = arith.remsi %add3A, %select_n3A_20 : i32
    %ne3A_22 = arith.constant 0 : i32
    %ne3A_23 = arith.cmpi ne, %rem3A_21, %ne3A_22 : i32
    %lt3A = arith.constant 0 : i32
    %lt3A_24 = arith.cmpi slt, %rem3A_21, %lt3A : i32
    %lt3A_25 = arith.constant 0 : i32
    %lt3A_26 = arith.cmpi slt, %select_n3A_20, %lt3A_25 : i32
    %ne3A_27 = arith.xori %lt3A_24, %lt3A_26 : i1
    %and3A_28 = arith.andi %ne3A_27, %ne3A_23 : i1
    %add3A_29 = arith.addi %rem3A_21, %select_n3A_20 : i32
    %select_n3A_30 = arith.select %and3A_28, %add3A_29, %rem3A_21 : i32
    "tpu.region"() ({
      %run_scoped3A = tpu.sem_alloc : memref<!tpu.dma_semaphore, #tpu.memory_space<semaphore_mem>>
      %dma_start3A_137 = arith.constant 0 : i32
      %dma_start3A_138 = arith.constant 0 : i32
      %dma_start3A_139 = tpu.memref_slice %arg2[%select_n3A, %select_n3A_30, %dma_start3A_137, %dma_start3A_138] : memref<4x8x2x8xi32, #tpu.memory_space<hbm>> -> memref<1x1x2x8xi32, #tpu.memory_space<hbm>>
      %dma_start3A_140 = tpu.memref_squeeze %dma_start3A_139 : memref<1x1x2x8xi32, #tpu.memory_space<hbm>> -> memref<2x8xi32, #tpu.memory_space<hbm>>
      %dma_start3A_141 = arith.constant 0 : i32
      %dma_start3A_142 = arith.constant 0 : i32
      %dma_start3A_143 = tpu.memref_slice %arg2[%select_n3A, %select_n3A_30, %dma_start3A_141, %dma_start3A_142] : memref<4x8x2x8xi32, #tpu.memory_space<hbm>> -> memref<1x1x2x8xi32, #tpu.memory_space<hbm>>
      %dma_start3A_144 = tpu.memref_squeeze %dma_start3A_143 : memref<1x1x2x8xi32, #tpu.memory_space<hbm>> -> memref<2x8xi32, #tpu.memory_space<hbm>>
      tpu.enqueue_dma source(%dma_start3A_144 : memref<2x8xi32, #tpu.memory_space<hbm>>) target(%arg5 : memref<2x8xi32, #tpu.memory_space<vmem>>) target_semaphore(%run_scoped3A : memref<!tpu.dma_semaphore, #tpu.memory_space<semaphore_mem>>)
      %dma_wait3A_145 = arith.constant 0 : i32
      %dma_wait3A_146 = arith.constant 0 : i32
      %dma_wait3A_147 = tpu.memref_slice %arg2[%select_n3A, %select_n3A_30, %dma_wait3A_145, %dma_wait3A_146] : memref<4x8x2x8xi32, #tpu.memory_space<hbm>> -> memref<1x1x2x8xi32, #tpu.memory_space<hbm>>
      %dma_wait3A_148 = tpu.memref_squeeze %dma_wait3A_147 : memref<1x1x2x8xi32, #tpu.memory_space<hbm>> -> memref<2x8xi32, #tpu.memory_space<hbm>>
      %dma_wait3A_149 = arith.constant 0 : i32
      %dma_wait3A_150 = arith.constant 0 : i32
      %dma_wait3A_151 = tpu.memref_slice %arg2[%select_n3A, %select_n3A_30, %dma_wait3A_149, %dma_wait3A_150] : memref<4x8x2x8xi32, #tpu.memory_space<hbm>> -> memref<1x1x2x8xi32, #tpu.memory_space<hbm>>
      %dma_wait3A_152 = tpu.memref_squeeze %dma_wait3A_151 : memref<1x1x2x8xi32, #tpu.memory_space<hbm>> -> memref<2x8xi32, #tpu.memory_space<hbm>>
      tpu.wait_dma2 semaphore(%run_scoped3A : memref<!tpu.dma_semaphore, #tpu.memory_space<semaphore_mem>>) src(%dma_wait3A_152 : memref<2x8xi32, #tpu.memory_space<hbm>>) dst(%arg5 : memref<2x8xi32, #tpu.memory_space<vmem>>)
      tpu.yield
    }) : () -> ()
    %dma_start3A = arith.constant 0 : i32
    %dma_start3A_31 = arith.constant 0 : i32
    %dma_start3A_32 = arith.constant 0 : i32
    %dma_start3A_33 = arith.constant 0 : i32
    %dma_start3A_34 = tpu.memref_slice %arg6[%dma_start3A_31, %dma_start3A_32, %dma_start3A_33] : memref<2x8x4096xf32, #tpu.memory_space<vmem>> -> memref<1x8x4096xf32, #tpu.memory_space<vmem>>
    %dma_start3A_35 = tpu.memref_squeeze %dma_start3A_34 : memref<1x8x4096xf32, #tpu.memory_space<vmem>> -> memref<8x4096xf32, #tpu.memory_space<vmem>>
    %dma_start3A_36 = arith.constant 0 : i32
    %dma_start3A_37 = tpu.memref_slice %arg5[%dma_start3A, %dma_start3A_36] : memref<2x8xi32, #tpu.memory_space<vmem>> -> memref<1x8xi32, #tpu.memory_space<vmem>>
    %dma_start3A_38 = tpu.memref_squeeze %dma_start3A_37 : memref<1x8xi32, #tpu.memory_space<vmem>> -> memref<8xi32, #tpu.memory_space<vmem>>
    %dma_start3A_39 = arith.constant 0 : i32
    %dma_start3A_40 = arith.constant 0 : i32
    %dma_start3A_41 = tpu.memref_slice %arg3[%dma_start3A_39, %dma_start3A_40] : memref<1024x4096xf32, #tpu.memory_space<hbm>> -> memref<1024x4096xf32, #tpu.memory_space<hbm>>
    tpu.enqueue_indirect_dma source(%dma_start3A_41 : memref<1024x4096xf32, #tpu.memory_space<hbm>>) target(%dma_start3A_35 : memref<8x4096xf32, #tpu.memory_space<vmem>>) offsets(%dma_start3A_38 : memref<8xi32, #tpu.memory_space<vmem>>) semaphore(%arg7 : memref<!tpu.dma_semaphore, #tpu.memory_space<semaphore_mem>>)
    %dma_start3A_42 = arith.constant 1 : i32
    %dma_start3A_43 = arith.constant 1 : i32
    %dma_start3A_44 = arith.constant 0 : i32
    %dma_start3A_45 = arith.constant 0 : i32
    %dma_start3A_46 = tpu.memref_slice %arg6[%dma_start3A_43, %dma_start3A_44, %dma_start3A_45] : memref<2x8x4096xf32, #tpu.memory_space<vmem>> -> memref<1x8x4096xf32, #tpu.memory_space<vmem>>
    %dma_start3A_47 = tpu.memref_squeeze %dma_start3A_46 : memref<1x8x4096xf32, #tpu.memory_space<vmem>> -> memref<8x4096xf32, #tpu.memory_space<vmem>>
    %dma_start3A_48 = arith.constant 0 : i32
    %dma_start3A_49 = tpu.memref_slice %arg5[%dma_start3A_42, %dma_start3A_48] : memref<2x8xi32, #tpu.memory_space<vmem>> -> memref<1x8xi32, #tpu.memory_space<vmem>>
    %dma_start3A_50 = tpu.memref_squeeze %dma_start3A_49 : memref<1x8xi32, #tpu.memory_space<vmem>> -> memref<8xi32, #tpu.memory_space<vmem>>
    %dma_start3A_51 = arith.constant 0 : i32
    %dma_start3A_52 = arith.constant 0 : i32
    %dma_start3A_53 = tpu.memref_slice %arg3[%dma_start3A_51, %dma_start3A_52] : memref<1024x4096xf32, #tpu.memory_space<hbm>> -> memref<1024x4096xf32, #tpu.memory_space<hbm>>
    tpu.enqueue_indirect_dma source(%dma_start3A_53 : memref<1024x4096xf32, #tpu.memory_space<hbm>>) target(%dma_start3A_47 : memref<8x4096xf32, #tpu.memory_space<vmem>>) offsets(%dma_start3A_50 : memref<8xi32, #tpu.memory_space<vmem>>) semaphore(%arg8 : memref<!tpu.dma_semaphore, #tpu.memory_space<semaphore_mem>>)
    %dma_wait3A = arith.constant 0 : i32
    %dma_wait3A_54 = arith.constant 0 : i32
    %dma_wait3A_55 = arith.constant 0 : i32
    %dma_wait3A_56 = arith.constant 0 : i32
    %dma_wait3A_57 = tpu.memref_slice %arg6[%dma_wait3A_54, %dma_wait3A_55, %dma_wait3A_56] : memref<2x8x4096xf32, #tpu.memory_space<vmem>> -> memref<1x8x4096xf32, #tpu.memory_space<vmem>>
    %dma_wait3A_58 = tpu.memref_squeeze %dma_wait3A_57 : memref<1x8x4096xf32, #tpu.memory_space<vmem>> -> memref<8x4096xf32, #tpu.memory_space<vmem>>
    %dma_wait3A_59 = arith.constant 0 : i32
    %dma_wait3A_60 = tpu.memref_slice %arg5[%dma_wait3A, %dma_wait3A_59] : memref<2x8xi32, #tpu.memory_space<vmem>> -> memref<1x8xi32, #tpu.memory_space<vmem>>
    %dma_wait3A_61 = tpu.memref_squeeze %dma_wait3A_60 : memref<1x8xi32, #tpu.memory_space<vmem>> -> memref<8xi32, #tpu.memory_space<vmem>>
    %dma_wait3A_62 = arith.constant 0 : i32
    %dma_wait3A_63 = arith.constant 0 : i32
    %dma_wait3A_64 = tpu.memref_slice %arg3[%dma_wait3A_62, %dma_wait3A_63] : memref<1024x4096xf32, #tpu.memory_space<hbm>> -> memref<1024x4096xf32, #tpu.memory_space<hbm>>
    tpu.wait_indirect_dma semaphore(%arg7 : memref<!tpu.dma_semaphore, #tpu.memory_space<semaphore_mem>>) src(%dma_wait3A_64 : memref<1024x4096xf32, #tpu.memory_space<hbm>>) dst(%dma_wait3A_58 : memref<8x4096xf32, #tpu.memory_space<vmem>>)
    %mul3A_65 = arith.constant 16 : i32
    %mul3A_66 = arith.muli %add3A, %mul3A_65 : i32
    %add3A_67 = arith.constant 0 : i32
    %add3A_68 = arith.addi %mul3A_66, %add3A_67 : i32
    %dma_start3A_69 = arith.constant 0 : i32
    %dma_start3A_70 = arith.constant 0 : i32
    %dma_start3A_71 = arith.constant 0 : i32
    %dma_start3A_72 = tpu.memref_slice %arg6[%dma_start3A_69, %dma_start3A_70, %dma_start3A_71] : memref<2x8x4096xf32, #tpu.memory_space<vmem>> -> memref<1x8x4096xf32, #tpu.memory_space<vmem>>
    %dma_start3A_73 = tpu.memref_squeeze %dma_start3A_72 : memref<1x8x4096xf32, #tpu.memory_space<vmem>> -> memref<8x4096xf32, #tpu.memory_space<vmem>>
    %dma_start3A_74 = arith.constant 0 : i32
    %dma_start3A_75 = tpu.memref_slice %arg4[%add3A_68, %dma_start3A_74] : memref<512x4096xf32, #tpu.memory_space<hbm>> -> memref<8x4096xf32, #tpu.memory_space<hbm>>
    %dma_start3A_76 = arith.constant 0 : i32
    %dma_start3A_77 = tpu.memref_slice %arg4[%add3A_68, %dma_start3A_76] : memref<512x4096xf32, #tpu.memory_space<hbm>> -> memref<8x4096xf32, #tpu.memory_space<hbm>>
    %dma_start3A_78 = arith.constant 0 : i32
    %dma_start3A_79 = arith.constant 0 : i32
    %dma_start3A_80 = tpu.memref_slice %arg6[%dma_start3A_69, %dma_start3A_78, %dma_start3A_79] : memref<2x8x4096xf32, #tpu.memory_space<vmem>> -> memref<1x8x4096xf32, #tpu.memory_space<vmem>>
    %dma_start3A_81 = tpu.memref_squeeze %dma_start3A_80 : memref<1x8x4096xf32, #tpu.memory_space<vmem>> -> memref<8x4096xf32, #tpu.memory_space<vmem>>
    tpu.enqueue_dma source(%dma_start3A_81 : memref<8x4096xf32, #tpu.memory_space<vmem>>) target(%dma_start3A_77 : memref<8x4096xf32, #tpu.memory_space<hbm>>) target_semaphore(%arg9 : memref<!tpu.dma_semaphore, #tpu.memory_space<semaphore_mem>>)
    %dma_wait3A_82 = arith.constant 1 : i32
    %dma_wait3A_83 = arith.constant 1 : i32
    %dma_wait3A_84 = arith.constant 0 : i32
    %dma_wait3A_85 = arith.constant 0 : i32
    %dma_wait3A_86 = tpu.memref_slice %arg6[%dma_wait3A_83, %dma_wait3A_84, %dma_wait3A_85] : memref<2x8x4096xf32, #tpu.memory_space<vmem>> -> memref<1x8x4096xf32, #tpu.memory_space<vmem>>
    %dma_wait3A_87 = tpu.memref_squeeze %dma_wait3A_86 : memref<1x8x4096xf32, #tpu.memory_space<vmem>> -> memref<8x4096xf32, #tpu.memory_space<vmem>>
    %dma_wait3A_88 = arith.constant 0 : i32
    %dma_wait3A_89 = tpu.memref_slice %arg5[%dma_wait3A_82, %dma_wait3A_88] : memref<2x8xi32, #tpu.memory_space<vmem>> -> memref<1x8xi32, #tpu.memory_space<vmem>>
    %dma_wait3A_90 = tpu.memref_squeeze %dma_wait3A_89 : memref<1x8xi32, #tpu.memory_space<vmem>> -> memref<8xi32, #tpu.memory_space<vmem>>
    %dma_wait3A_91 = arith.constant 0 : i32
    %dma_wait3A_92 = arith.constant 0 : i32
    %dma_wait3A_93 = tpu.memref_slice %arg3[%dma_wait3A_91, %dma_wait3A_92] : memref<1024x4096xf32, #tpu.memory_space<hbm>> -> memref<1024x4096xf32, #tpu.memory_space<hbm>>
    tpu.wait_indirect_dma semaphore(%arg8 : memref<!tpu.dma_semaphore, #tpu.memory_space<semaphore_mem>>) src(%dma_wait3A_93 : memref<1024x4096xf32, #tpu.memory_space<hbm>>) dst(%dma_wait3A_87 : memref<8x4096xf32, #tpu.memory_space<vmem>>)
    %mul3A_94 = arith.constant 16 : i32
    %mul3A_95 = arith.muli %add3A, %mul3A_94 : i32
    %add3A_96 = arith.constant 8 : i32
    %add3A_97 = arith.addi %mul3A_95, %add3A_96 : i32
    %dma_start3A_98 = arith.constant 1 : i32
    %dma_start3A_99 = arith.constant 0 : i32
    %dma_start3A_100 = arith.constant 0 : i32
    %dma_start3A_101 = tpu.memref_slice %arg6[%dma_start3A_98, %dma_start3A_99, %dma_start3A_100] : memref<2x8x4096xf32, #tpu.memory_space<vmem>> -> memref<1x8x4096xf32, #tpu.memory_space<vmem>>
    %dma_start3A_102 = tpu.memref_squeeze %dma_start3A_101 : memref<1x8x4096xf32, #tpu.memory_space<vmem>> -> memref<8x4096xf32, #tpu.memory_space<vmem>>
    %dma_start3A_103 = arith.constant 0 : i32
    %dma_start3A_104 = tpu.memref_slice %arg4[%add3A_97, %dma_start3A_103] : memref<512x4096xf32, #tpu.memory_space<hbm>> -> memref<8x4096xf32, #tpu.memory_space<hbm>>
    %dma_start3A_105 = arith.constant 0 : i32
    %dma_start3A_106 = tpu.memref_slice %arg4[%add3A_97, %dma_start3A_105] : memref<512x4096xf32, #tpu.memory_space<hbm>> -> memref<8x4096xf32, #tpu.memory_space<hbm>>
    %dma_start3A_107 = arith.constant 0 : i32
    %dma_start3A_108 = arith.constant 0 : i32
    %dma_start3A_109 = tpu.memref_slice %arg6[%dma_start3A_98, %dma_start3A_107, %dma_start3A_108] : memref<2x8x4096xf32, #tpu.memory_space<vmem>> -> memref<1x8x4096xf32, #tpu.memory_space<vmem>>
    %dma_start3A_110 = tpu.memref_squeeze %dma_start3A_109 : memref<1x8x4096xf32, #tpu.memory_space<vmem>> -> memref<8x4096xf32, #tpu.memory_space<vmem>>
    tpu.enqueue_dma source(%dma_start3A_110 : memref<8x4096xf32, #tpu.memory_space<vmem>>) target(%dma_start3A_106 : memref<8x4096xf32, #tpu.memory_space<hbm>>) target_semaphore(%arg10 : memref<!tpu.dma_semaphore, #tpu.memory_space<semaphore_mem>>)
    %dma_wait3A_111 = arith.constant 0 : i32
    %dma_wait3A_112 = arith.constant 0 : i32
    %dma_wait3A_113 = arith.constant 0 : i32
    %dma_wait3A_114 = tpu.memref_slice %arg6[%dma_wait3A_111, %dma_wait3A_112, %dma_wait3A_113] : memref<2x8x4096xf32, #tpu.memory_space<vmem>> -> memref<1x8x4096xf32, #tpu.memory_space<vmem>>
    %dma_wait3A_115 = tpu.memref_squeeze %dma_wait3A_114 : memref<1x8x4096xf32, #tpu.memory_space<vmem>> -> memref<8x4096xf32, #tpu.memory_space<vmem>>
    %dma_wait3A_116 = arith.constant 0 : i32
    %dma_wait3A_117 = tpu.memref_slice %arg4[%add3A_68, %dma_wait3A_116] : memref<512x4096xf32, #tpu.memory_space<hbm>> -> memref<8x4096xf32, #tpu.memory_space<hbm>>
    %dma_wait3A_118 = arith.constant 0 : i32
    %dma_wait3A_119 = tpu.memref_slice %arg4[%add3A_68, %dma_wait3A_118] : memref<512x4096xf32, #tpu.memory_space<hbm>> -> memref<8x4096xf32, #tpu.memory_space<hbm>>
    %dma_wait3A_120 = arith.constant 0 : i32
    %dma_wait3A_121 = arith.constant 0 : i32
    %dma_wait3A_122 = tpu.memref_slice %arg6[%dma_wait3A_111, %dma_wait3A_120, %dma_wait3A_121] : memref<2x8x4096xf32, #tpu.memory_space<vmem>> -> memref<1x8x4096xf32, #tpu.memory_space<vmem>>
    %dma_wait3A_123 = tpu.memref_squeeze %dma_wait3A_122 : memref<1x8x4096xf32, #tpu.memory_space<vmem>> -> memref<8x4096xf32, #tpu.memory_space<vmem>>
    tpu.wait_dma2 semaphore(%arg9 : memref<!tpu.dma_semaphore, #tpu.memory_space<semaphore_mem>>) src(%dma_wait3A_123 : memref<8x4096xf32, #tpu.memory_space<vmem>>) dst(%dma_wait3A_119 : memref<8x4096xf32, #tpu.memory_space<hbm>>)
    %dma_wait3A_124 = arith.constant 1 : i32
    %dma_wait3A_125 = arith.constant 0 : i32
    %dma_wait3A_126 = arith.constant 0 : i32
    %dma_wait3A_127 = tpu.memref_slice %arg6[%dma_wait3A_124, %dma_wait3A_125, %dma_wait3A_126] : memref<2x8x4096xf32, #tpu.memory_space<vmem>> -> memref<1x8x4096xf32, #tpu.memory_space<vmem>>
    %dma_wait3A_128 = tpu.memref_squeeze %dma_wait3A_127 : memref<1x8x4096xf32, #tpu.memory_space<vmem>> -> memref<8x4096xf32, #tpu.memory_space<vmem>>
    %dma_wait3A_129 = arith.constant 0 : i32
    %dma_wait3A_130 = tpu.memref_slice %arg4[%add3A_97, %dma_wait3A_129] : memref<512x4096xf32, #tpu.memory_space<hbm>> -> memref<8x4096xf32, #tpu.memory_space<hbm>>
    %dma_wait3A_131 = arith.constant 0 : i32
    %dma_wait3A_132 = tpu.memref_slice %arg4[%add3A_97, %dma_wait3A_131] : memref<512x4096xf32, #tpu.memory_space<hbm>> -> memref<8x4096xf32, #tpu.memory_space<hbm>>
    %dma_wait3A_133 = arith.constant 0 : i32
    %dma_wait3A_134 = arith.constant 0 : i32
    %dma_wait3A_135 = tpu.memref_slice %arg6[%dma_wait3A_124, %dma_wait3A_133, %dma_wait3A_134] : memref<2x8x4096xf32, #tpu.memory_space<vmem>> -> memref<1x8x4096xf32, #tpu.memory_space<vmem>>
    %dma_wait3A_136 = tpu.memref_squeeze %dma_wait3A_135 : memref<1x8x4096xf32, #tpu.memory_space<vmem>> -> memref<8x4096xf32, #tpu.memory_space<vmem>>
    tpu.wait_dma2 semaphore(%arg10 : memref<!tpu.dma_semaphore, #tpu.memory_space<semaphore_mem>>) src(%dma_wait3A_136 : memref<8x4096xf32, #tpu.memory_space<vmem>>) dst(%dma_wait3A_132 : memref<8x4096xf32, #tpu.memory_space<hbm>>)
    return
  }
}

module attributes {stable_mosaic.version = 14 : i64} {
  func.func @_simout_body(%arg0: memref<4x4096xf32, #tpu.memory_space<vmem>>, %arg1: memref<64x4096xf32, #tpu.memory_space<vmem>>, %arg2: memref<4x8x4096xf32, #tpu.memory_space<vmem>>) attributes {dimension_semantics = [], scalar_prefetch = 0 : i64, scratch_operands = 0 : i64, tpu.core_type = #tpu.core_type<tc>} {
    %get3A = arith.constant 0 : index
    %get3A_0 = arith.constant 0 : index
    %get3A_1 = vector.load %arg0[%get3A, %get3A_0] : memref<4x4096xf32, #tpu.memory_space<vmem>>, vector<4x4096xf32>
    %mul3A = arith.mulf %get3A_1, %get3A_1 : vector<4x4096xf32>
    %slice3A = vector.extract_strided_slice %mul3A {offsets = [0, 0], sizes = [4, 128], strides = [1, 1]} : vector<4x4096xf32> to vector<4x128xf32>
    %slice3A_2 = vector.extract_strided_slice %mul3A {offsets = [0, 128], sizes = [4, 128], strides = [1, 1]} : vector<4x4096xf32> to vector<4x128xf32>
    %add3A = arith.addf %slice3A, %slice3A_2 : vector<4x128xf32>
    %slice3A_3 = vector.extract_strided_slice %mul3A {offsets = [0, 256], sizes = [4, 128], strides = [1, 1]} : vector<4x4096xf32> to vector<4x128xf32>
    %add3A_4 = arith.addf %add3A, %slice3A_3 : vector<4x128xf32>
    %slice3A_5 = vector.extract_strided_slice %mul3A {offsets = [0, 384], sizes = [4, 128], strides = [1, 1]} : vector<4x4096xf32> to vector<4x128xf32>
    %add3A_6 = arith.addf %add3A_4, %slice3A_5 : vector<4x128xf32>
    %slice3A_7 = vector.extract_strided_slice %mul3A {offsets = [0, 512], sizes = [4, 128], strides = [1, 1]} : vector<4x4096xf32> to vector<4x128xf32>
    %add3A_8 = arith.addf %add3A_6, %slice3A_7 : vector<4x128xf32>
    %slice3A_9 = vector.extract_strided_slice %mul3A {offsets = [0, 640], sizes = [4, 128], strides = [1, 1]} : vector<4x4096xf32> to vector<4x128xf32>
    %add3A_10 = arith.addf %add3A_8, %slice3A_9 : vector<4x128xf32>
    %slice3A_11 = vector.extract_strided_slice %mul3A {offsets = [0, 768], sizes = [4, 128], strides = [1, 1]} : vector<4x4096xf32> to vector<4x128xf32>
    %add3A_12 = arith.addf %add3A_10, %slice3A_11 : vector<4x128xf32>
    %slice3A_13 = vector.extract_strided_slice %mul3A {offsets = [0, 896], sizes = [4, 128], strides = [1, 1]} : vector<4x4096xf32> to vector<4x128xf32>
    %add3A_14 = arith.addf %add3A_12, %slice3A_13 : vector<4x128xf32>
    %slice3A_15 = vector.extract_strided_slice %mul3A {offsets = [0, 1024], sizes = [4, 128], strides = [1, 1]} : vector<4x4096xf32> to vector<4x128xf32>
    %add3A_16 = arith.addf %add3A_14, %slice3A_15 : vector<4x128xf32>
    %slice3A_17 = vector.extract_strided_slice %mul3A {offsets = [0, 1152], sizes = [4, 128], strides = [1, 1]} : vector<4x4096xf32> to vector<4x128xf32>
    %add3A_18 = arith.addf %add3A_16, %slice3A_17 : vector<4x128xf32>
    %slice3A_19 = vector.extract_strided_slice %mul3A {offsets = [0, 1280], sizes = [4, 128], strides = [1, 1]} : vector<4x4096xf32> to vector<4x128xf32>
    %add3A_20 = arith.addf %add3A_18, %slice3A_19 : vector<4x128xf32>
    %slice3A_21 = vector.extract_strided_slice %mul3A {offsets = [0, 1408], sizes = [4, 128], strides = [1, 1]} : vector<4x4096xf32> to vector<4x128xf32>
    %add3A_22 = arith.addf %add3A_20, %slice3A_21 : vector<4x128xf32>
    %slice3A_23 = vector.extract_strided_slice %mul3A {offsets = [0, 1536], sizes = [4, 128], strides = [1, 1]} : vector<4x4096xf32> to vector<4x128xf32>
    %add3A_24 = arith.addf %add3A_22, %slice3A_23 : vector<4x128xf32>
    %slice3A_25 = vector.extract_strided_slice %mul3A {offsets = [0, 1664], sizes = [4, 128], strides = [1, 1]} : vector<4x4096xf32> to vector<4x128xf32>
    %add3A_26 = arith.addf %add3A_24, %slice3A_25 : vector<4x128xf32>
    %slice3A_27 = vector.extract_strided_slice %mul3A {offsets = [0, 1792], sizes = [4, 128], strides = [1, 1]} : vector<4x4096xf32> to vector<4x128xf32>
    %add3A_28 = arith.addf %add3A_26, %slice3A_27 : vector<4x128xf32>
    %slice3A_29 = vector.extract_strided_slice %mul3A {offsets = [0, 1920], sizes = [4, 128], strides = [1, 1]} : vector<4x4096xf32> to vector<4x128xf32>
    %add3A_30 = arith.addf %add3A_28, %slice3A_29 : vector<4x128xf32>
    %slice3A_31 = vector.extract_strided_slice %mul3A {offsets = [0, 2048], sizes = [4, 128], strides = [1, 1]} : vector<4x4096xf32> to vector<4x128xf32>
    %add3A_32 = arith.addf %add3A_30, %slice3A_31 : vector<4x128xf32>
    %slice3A_33 = vector.extract_strided_slice %mul3A {offsets = [0, 2176], sizes = [4, 128], strides = [1, 1]} : vector<4x4096xf32> to vector<4x128xf32>
    %add3A_34 = arith.addf %add3A_32, %slice3A_33 : vector<4x128xf32>
    %slice3A_35 = vector.extract_strided_slice %mul3A {offsets = [0, 2304], sizes = [4, 128], strides = [1, 1]} : vector<4x4096xf32> to vector<4x128xf32>
    %add3A_36 = arith.addf %add3A_34, %slice3A_35 : vector<4x128xf32>
    %slice3A_37 = vector.extract_strided_slice %mul3A {offsets = [0, 2432], sizes = [4, 128], strides = [1, 1]} : vector<4x4096xf32> to vector<4x128xf32>
    %add3A_38 = arith.addf %add3A_36, %slice3A_37 : vector<4x128xf32>
    %slice3A_39 = vector.extract_strided_slice %mul3A {offsets = [0, 2560], sizes = [4, 128], strides = [1, 1]} : vector<4x4096xf32> to vector<4x128xf32>
    %add3A_40 = arith.addf %add3A_38, %slice3A_39 : vector<4x128xf32>
    %slice3A_41 = vector.extract_strided_slice %mul3A {offsets = [0, 2688], sizes = [4, 128], strides = [1, 1]} : vector<4x4096xf32> to vector<4x128xf32>
    %add3A_42 = arith.addf %add3A_40, %slice3A_41 : vector<4x128xf32>
    %slice3A_43 = vector.extract_strided_slice %mul3A {offsets = [0, 2816], sizes = [4, 128], strides = [1, 1]} : vector<4x4096xf32> to vector<4x128xf32>
    %add3A_44 = arith.addf %add3A_42, %slice3A_43 : vector<4x128xf32>
    %slice3A_45 = vector.extract_strided_slice %mul3A {offsets = [0, 2944], sizes = [4, 128], strides = [1, 1]} : vector<4x4096xf32> to vector<4x128xf32>
    %add3A_46 = arith.addf %add3A_44, %slice3A_45 : vector<4x128xf32>
    %slice3A_47 = vector.extract_strided_slice %mul3A {offsets = [0, 3072], sizes = [4, 128], strides = [1, 1]} : vector<4x4096xf32> to vector<4x128xf32>
    %add3A_48 = arith.addf %add3A_46, %slice3A_47 : vector<4x128xf32>
    %slice3A_49 = vector.extract_strided_slice %mul3A {offsets = [0, 3200], sizes = [4, 128], strides = [1, 1]} : vector<4x4096xf32> to vector<4x128xf32>
    %add3A_50 = arith.addf %add3A_48, %slice3A_49 : vector<4x128xf32>
    %slice3A_51 = vector.extract_strided_slice %mul3A {offsets = [0, 3328], sizes = [4, 128], strides = [1, 1]} : vector<4x4096xf32> to vector<4x128xf32>
    %add3A_52 = arith.addf %add3A_50, %slice3A_51 : vector<4x128xf32>
    %slice3A_53 = vector.extract_strided_slice %mul3A {offsets = [0, 3456], sizes = [4, 128], strides = [1, 1]} : vector<4x4096xf32> to vector<4x128xf32>
    %add3A_54 = arith.addf %add3A_52, %slice3A_53 : vector<4x128xf32>
    %slice3A_55 = vector.extract_strided_slice %mul3A {offsets = [0, 3584], sizes = [4, 128], strides = [1, 1]} : vector<4x4096xf32> to vector<4x128xf32>
    %add3A_56 = arith.addf %add3A_54, %slice3A_55 : vector<4x128xf32>
    %slice3A_57 = vector.extract_strided_slice %mul3A {offsets = [0, 3712], sizes = [4, 128], strides = [1, 1]} : vector<4x4096xf32> to vector<4x128xf32>
    %add3A_58 = arith.addf %add3A_56, %slice3A_57 : vector<4x128xf32>
    %slice3A_59 = vector.extract_strided_slice %mul3A {offsets = [0, 3840], sizes = [4, 128], strides = [1, 1]} : vector<4x4096xf32> to vector<4x128xf32>
    %add3A_60 = arith.addf %add3A_58, %slice3A_59 : vector<4x128xf32>
    %slice3A_61 = vector.extract_strided_slice %mul3A {offsets = [0, 3968], sizes = [4, 128], strides = [1, 1]} : vector<4x4096xf32> to vector<4x128xf32>
    %add3A_62 = arith.addf %add3A_60, %slice3A_61 : vector<4x128xf32>
    %slice3A_63 = vector.extract_strided_slice %add3A_62 {offsets = [0, 0], sizes = [4, 8], strides = [1, 1]} : vector<4x128xf32> to vector<4x8xf32>
    %slice3A_64 = vector.extract_strided_slice %add3A_62 {offsets = [0, 8], sizes = [4, 8], strides = [1, 1]} : vector<4x128xf32> to vector<4x8xf32>
    %add3A_65 = arith.addf %slice3A_63, %slice3A_64 : vector<4x8xf32>
    %slice3A_66 = vector.extract_strided_slice %add3A_62 {offsets = [0, 16], sizes = [4, 8], strides = [1, 1]} : vector<4x128xf32> to vector<4x8xf32>
    %add3A_67 = arith.addf %add3A_65, %slice3A_66 : vector<4x8xf32>
    %slice3A_68 = vector.extract_strided_slice %add3A_62 {offsets = [0, 24], sizes = [4, 8], strides = [1, 1]} : vector<4x128xf32> to vector<4x8xf32>
    %add3A_69 = arith.addf %add3A_67, %slice3A_68 : vector<4x8xf32>
    %slice3A_70 = vector.extract_strided_slice %add3A_62 {offsets = [0, 32], sizes = [4, 8], strides = [1, 1]} : vector<4x128xf32> to vector<4x8xf32>
    %add3A_71 = arith.addf %add3A_69, %slice3A_70 : vector<4x8xf32>
    %slice3A_72 = vector.extract_strided_slice %add3A_62 {offsets = [0, 40], sizes = [4, 8], strides = [1, 1]} : vector<4x128xf32> to vector<4x8xf32>
    %add3A_73 = arith.addf %add3A_71, %slice3A_72 : vector<4x8xf32>
    %slice3A_74 = vector.extract_strided_slice %add3A_62 {offsets = [0, 48], sizes = [4, 8], strides = [1, 1]} : vector<4x128xf32> to vector<4x8xf32>
    %add3A_75 = arith.addf %add3A_73, %slice3A_74 : vector<4x8xf32>
    %slice3A_76 = vector.extract_strided_slice %add3A_62 {offsets = [0, 56], sizes = [4, 8], strides = [1, 1]} : vector<4x128xf32> to vector<4x8xf32>
    %add3A_77 = arith.addf %add3A_75, %slice3A_76 : vector<4x8xf32>
    %slice3A_78 = vector.extract_strided_slice %add3A_62 {offsets = [0, 64], sizes = [4, 8], strides = [1, 1]} : vector<4x128xf32> to vector<4x8xf32>
    %add3A_79 = arith.addf %add3A_77, %slice3A_78 : vector<4x8xf32>
    %slice3A_80 = vector.extract_strided_slice %add3A_62 {offsets = [0, 72], sizes = [4, 8], strides = [1, 1]} : vector<4x128xf32> to vector<4x8xf32>
    %add3A_81 = arith.addf %add3A_79, %slice3A_80 : vector<4x8xf32>
    %slice3A_82 = vector.extract_strided_slice %add3A_62 {offsets = [0, 80], sizes = [4, 8], strides = [1, 1]} : vector<4x128xf32> to vector<4x8xf32>
    %add3A_83 = arith.addf %add3A_81, %slice3A_82 : vector<4x8xf32>
    %slice3A_84 = vector.extract_strided_slice %add3A_62 {offsets = [0, 88], sizes = [4, 8], strides = [1, 1]} : vector<4x128xf32> to vector<4x8xf32>
    %add3A_85 = arith.addf %add3A_83, %slice3A_84 : vector<4x8xf32>
    %slice3A_86 = vector.extract_strided_slice %add3A_62 {offsets = [0, 96], sizes = [4, 8], strides = [1, 1]} : vector<4x128xf32> to vector<4x8xf32>
    %add3A_87 = arith.addf %add3A_85, %slice3A_86 : vector<4x8xf32>
    %slice3A_88 = vector.extract_strided_slice %add3A_62 {offsets = [0, 104], sizes = [4, 8], strides = [1, 1]} : vector<4x128xf32> to vector<4x8xf32>
    %add3A_89 = arith.addf %add3A_87, %slice3A_88 : vector<4x8xf32>
    %slice3A_90 = vector.extract_strided_slice %add3A_62 {offsets = [0, 112], sizes = [4, 8], strides = [1, 1]} : vector<4x128xf32> to vector<4x8xf32>
    %add3A_91 = arith.addf %add3A_89, %slice3A_90 : vector<4x8xf32>
    %slice3A_92 = vector.extract_strided_slice %add3A_62 {offsets = [0, 120], sizes = [4, 8], strides = [1, 1]} : vector<4x128xf32> to vector<4x8xf32>
    %add3A_93 = arith.addf %add3A_91, %slice3A_92 : vector<4x8xf32>
    %slice3A_94 = vector.extract_strided_slice %add3A_93 {offsets = [0, 0], sizes = [4, 4], strides = [1, 1]} : vector<4x8xf32> to vector<4x4xf32>
    %slice3A_95 = vector.extract_strided_slice %add3A_93 {offsets = [0, 4], sizes = [4, 4], strides = [1, 1]} : vector<4x8xf32> to vector<4x4xf32>
    %add3A_96 = arith.addf %slice3A_94, %slice3A_95 : vector<4x4xf32>
    %slice3A_97 = vector.extract_strided_slice %add3A_96 {offsets = [0, 0], sizes = [4, 2], strides = [1, 1]} : vector<4x4xf32> to vector<4x2xf32>
    %slice3A_98 = vector.extract_strided_slice %add3A_96 {offsets = [0, 2], sizes = [4, 2], strides = [1, 1]} : vector<4x4xf32> to vector<4x2xf32>
    %add3A_99 = arith.addf %slice3A_97, %slice3A_98 : vector<4x2xf32>
    %slice3A_100 = vector.extract_strided_slice %add3A_99 {offsets = [0, 0], sizes = [4, 1], strides = [1, 1]} : vector<4x2xf32> to vector<4x1xf32>
    %slice3A_101 = vector.extract_strided_slice %add3A_99 {offsets = [0, 1], sizes = [4, 1], strides = [1, 1]} : vector<4x2xf32> to vector<4x1xf32>
    %add3A_102 = arith.addf %slice3A_100, %slice3A_101 : vector<4x1xf32>
    %max3A = arith.constant 9.99999996E-13 : f32
    %max3A_103 = vector.broadcast %max3A : f32 to vector<4x1xf32>
    %max3A_104 = arith.maximumf %add3A_102, %max3A_103 : vector<4x1xf32>
    %rsqrt3A = math.rsqrt %max3A_104 : vector<4x1xf32>
    %mul3A_105 = vector.broadcast %rsqrt3A : vector<4x1xf32> to vector<4x4096xf32>
    %mul3A_106 = arith.mulf %get3A_1, %mul3A_105 : vector<4x4096xf32>
    %get3A_107 = arith.constant 0 : index
    %get3A_108 = arith.constant 0 : index
    %get3A_109 = vector.load %arg1[%get3A_107, %get3A_108] : memref<64x4096xf32, #tpu.memory_space<vmem>>, vector<64x4096xf32>
    %mul3A_110 = arith.mulf %get3A_109, %get3A_109 : vector<64x4096xf32>
    %slice3A_111 = vector.extract_strided_slice %mul3A_110 {offsets = [0, 0], sizes = [64, 128], strides = [1, 1]} : vector<64x4096xf32> to vector<64x128xf32>
    %slice3A_112 = vector.extract_strided_slice %mul3A_110 {offsets = [0, 128], sizes = [64, 128], strides = [1, 1]} : vector<64x4096xf32> to vector<64x128xf32>
    %add3A_113 = arith.addf %slice3A_111, %slice3A_112 : vector<64x128xf32>
    %slice3A_114 = vector.extract_strided_slice %mul3A_110 {offsets = [0, 256], sizes = [64, 128], strides = [1, 1]} : vector<64x4096xf32> to vector<64x128xf32>
    %add3A_115 = arith.addf %add3A_113, %slice3A_114 : vector<64x128xf32>
    %slice3A_116 = vector.extract_strided_slice %mul3A_110 {offsets = [0, 384], sizes = [64, 128], strides = [1, 1]} : vector<64x4096xf32> to vector<64x128xf32>
    %add3A_117 = arith.addf %add3A_115, %slice3A_116 : vector<64x128xf32>
    %slice3A_118 = vector.extract_strided_slice %mul3A_110 {offsets = [0, 512], sizes = [64, 128], strides = [1, 1]} : vector<64x4096xf32> to vector<64x128xf32>
    %add3A_119 = arith.addf %add3A_117, %slice3A_118 : vector<64x128xf32>
    %slice3A_120 = vector.extract_strided_slice %mul3A_110 {offsets = [0, 640], sizes = [64, 128], strides = [1, 1]} : vector<64x4096xf32> to vector<64x128xf32>
    %add3A_121 = arith.addf %add3A_119, %slice3A_120 : vector<64x128xf32>
    %slice3A_122 = vector.extract_strided_slice %mul3A_110 {offsets = [0, 768], sizes = [64, 128], strides = [1, 1]} : vector<64x4096xf32> to vector<64x128xf32>
    %add3A_123 = arith.addf %add3A_121, %slice3A_122 : vector<64x128xf32>
    %slice3A_124 = vector.extract_strided_slice %mul3A_110 {offsets = [0, 896], sizes = [64, 128], strides = [1, 1]} : vector<64x4096xf32> to vector<64x128xf32>
    %add3A_125 = arith.addf %add3A_123, %slice3A_124 : vector<64x128xf32>
    %slice3A_126 = vector.extract_strided_slice %mul3A_110 {offsets = [0, 1024], sizes = [64, 128], strides = [1, 1]} : vector<64x4096xf32> to vector<64x128xf32>
    %add3A_127 = arith.addf %add3A_125, %slice3A_126 : vector<64x128xf32>
    %slice3A_128 = vector.extract_strided_slice %mul3A_110 {offsets = [0, 1152], sizes = [64, 128], strides = [1, 1]} : vector<64x4096xf32> to vector<64x128xf32>
    %add3A_129 = arith.addf %add3A_127, %slice3A_128 : vector<64x128xf32>
    %slice3A_130 = vector.extract_strided_slice %mul3A_110 {offsets = [0, 1280], sizes = [64, 128], strides = [1, 1]} : vector<64x4096xf32> to vector<64x128xf32>
    %add3A_131 = arith.addf %add3A_129, %slice3A_130 : vector<64x128xf32>
    %slice3A_132 = vector.extract_strided_slice %mul3A_110 {offsets = [0, 1408], sizes = [64, 128], strides = [1, 1]} : vector<64x4096xf32> to vector<64x128xf32>
    %add3A_133 = arith.addf %add3A_131, %slice3A_132 : vector<64x128xf32>
    %slice3A_134 = vector.extract_strided_slice %mul3A_110 {offsets = [0, 1536], sizes = [64, 128], strides = [1, 1]} : vector<64x4096xf32> to vector<64x128xf32>
    %add3A_135 = arith.addf %add3A_133, %slice3A_134 : vector<64x128xf32>
    %slice3A_136 = vector.extract_strided_slice %mul3A_110 {offsets = [0, 1664], sizes = [64, 128], strides = [1, 1]} : vector<64x4096xf32> to vector<64x128xf32>
    %add3A_137 = arith.addf %add3A_135, %slice3A_136 : vector<64x128xf32>
    %slice3A_138 = vector.extract_strided_slice %mul3A_110 {offsets = [0, 1792], sizes = [64, 128], strides = [1, 1]} : vector<64x4096xf32> to vector<64x128xf32>
    %add3A_139 = arith.addf %add3A_137, %slice3A_138 : vector<64x128xf32>
    %slice3A_140 = vector.extract_strided_slice %mul3A_110 {offsets = [0, 1920], sizes = [64, 128], strides = [1, 1]} : vector<64x4096xf32> to vector<64x128xf32>
    %add3A_141 = arith.addf %add3A_139, %slice3A_140 : vector<64x128xf32>
    %slice3A_142 = vector.extract_strided_slice %mul3A_110 {offsets = [0, 2048], sizes = [64, 128], strides = [1, 1]} : vector<64x4096xf32> to vector<64x128xf32>
    %add3A_143 = arith.addf %add3A_141, %slice3A_142 : vector<64x128xf32>
    %slice3A_144 = vector.extract_strided_slice %mul3A_110 {offsets = [0, 2176], sizes = [64, 128], strides = [1, 1]} : vector<64x4096xf32> to vector<64x128xf32>
    %add3A_145 = arith.addf %add3A_143, %slice3A_144 : vector<64x128xf32>
    %slice3A_146 = vector.extract_strided_slice %mul3A_110 {offsets = [0, 2304], sizes = [64, 128], strides = [1, 1]} : vector<64x4096xf32> to vector<64x128xf32>
    %add3A_147 = arith.addf %add3A_145, %slice3A_146 : vector<64x128xf32>
    %slice3A_148 = vector.extract_strided_slice %mul3A_110 {offsets = [0, 2432], sizes = [64, 128], strides = [1, 1]} : vector<64x4096xf32> to vector<64x128xf32>
    %add3A_149 = arith.addf %add3A_147, %slice3A_148 : vector<64x128xf32>
    %slice3A_150 = vector.extract_strided_slice %mul3A_110 {offsets = [0, 2560], sizes = [64, 128], strides = [1, 1]} : vector<64x4096xf32> to vector<64x128xf32>
    %add3A_151 = arith.addf %add3A_149, %slice3A_150 : vector<64x128xf32>
    %slice3A_152 = vector.extract_strided_slice %mul3A_110 {offsets = [0, 2688], sizes = [64, 128], strides = [1, 1]} : vector<64x4096xf32> to vector<64x128xf32>
    %add3A_153 = arith.addf %add3A_151, %slice3A_152 : vector<64x128xf32>
    %slice3A_154 = vector.extract_strided_slice %mul3A_110 {offsets = [0, 2816], sizes = [64, 128], strides = [1, 1]} : vector<64x4096xf32> to vector<64x128xf32>
    %add3A_155 = arith.addf %add3A_153, %slice3A_154 : vector<64x128xf32>
    %slice3A_156 = vector.extract_strided_slice %mul3A_110 {offsets = [0, 2944], sizes = [64, 128], strides = [1, 1]} : vector<64x4096xf32> to vector<64x128xf32>
    %add3A_157 = arith.addf %add3A_155, %slice3A_156 : vector<64x128xf32>
    %slice3A_158 = vector.extract_strided_slice %mul3A_110 {offsets = [0, 3072], sizes = [64, 128], strides = [1, 1]} : vector<64x4096xf32> to vector<64x128xf32>
    %add3A_159 = arith.addf %add3A_157, %slice3A_158 : vector<64x128xf32>
    %slice3A_160 = vector.extract_strided_slice %mul3A_110 {offsets = [0, 3200], sizes = [64, 128], strides = [1, 1]} : vector<64x4096xf32> to vector<64x128xf32>
    %add3A_161 = arith.addf %add3A_159, %slice3A_160 : vector<64x128xf32>
    %slice3A_162 = vector.extract_strided_slice %mul3A_110 {offsets = [0, 3328], sizes = [64, 128], strides = [1, 1]} : vector<64x4096xf32> to vector<64x128xf32>
    %add3A_163 = arith.addf %add3A_161, %slice3A_162 : vector<64x128xf32>
    %slice3A_164 = vector.extract_strided_slice %mul3A_110 {offsets = [0, 3456], sizes = [64, 128], strides = [1, 1]} : vector<64x4096xf32> to vector<64x128xf32>
    %add3A_165 = arith.addf %add3A_163, %slice3A_164 : vector<64x128xf32>
    %slice3A_166 = vector.extract_strided_slice %mul3A_110 {offsets = [0, 3584], sizes = [64, 128], strides = [1, 1]} : vector<64x4096xf32> to vector<64x128xf32>
    %add3A_167 = arith.addf %add3A_165, %slice3A_166 : vector<64x128xf32>
    %slice3A_168 = vector.extract_strided_slice %mul3A_110 {offsets = [0, 3712], sizes = [64, 128], strides = [1, 1]} : vector<64x4096xf32> to vector<64x128xf32>
    %add3A_169 = arith.addf %add3A_167, %slice3A_168 : vector<64x128xf32>
    %slice3A_170 = vector.extract_strided_slice %mul3A_110 {offsets = [0, 3840], sizes = [64, 128], strides = [1, 1]} : vector<64x4096xf32> to vector<64x128xf32>
    %add3A_171 = arith.addf %add3A_169, %slice3A_170 : vector<64x128xf32>
    %slice3A_172 = vector.extract_strided_slice %mul3A_110 {offsets = [0, 3968], sizes = [64, 128], strides = [1, 1]} : vector<64x4096xf32> to vector<64x128xf32>
    %add3A_173 = arith.addf %add3A_171, %slice3A_172 : vector<64x128xf32>
    %slice3A_174 = vector.extract_strided_slice %add3A_173 {offsets = [0, 0], sizes = [64, 8], strides = [1, 1]} : vector<64x128xf32> to vector<64x8xf32>
    %slice3A_175 = vector.extract_strided_slice %add3A_173 {offsets = [0, 8], sizes = [64, 8], strides = [1, 1]} : vector<64x128xf32> to vector<64x8xf32>
    %add3A_176 = arith.addf %slice3A_174, %slice3A_175 : vector<64x8xf32>
    %slice3A_177 = vector.extract_strided_slice %add3A_173 {offsets = [0, 16], sizes = [64, 8], strides = [1, 1]} : vector<64x128xf32> to vector<64x8xf32>
    %add3A_178 = arith.addf %add3A_176, %slice3A_177 : vector<64x8xf32>
    %slice3A_179 = vector.extract_strided_slice %add3A_173 {offsets = [0, 24], sizes = [64, 8], strides = [1, 1]} : vector<64x128xf32> to vector<64x8xf32>
    %add3A_180 = arith.addf %add3A_178, %slice3A_179 : vector<64x8xf32>
    %slice3A_181 = vector.extract_strided_slice %add3A_173 {offsets = [0, 32], sizes = [64, 8], strides = [1, 1]} : vector<64x128xf32> to vector<64x8xf32>
    %add3A_182 = arith.addf %add3A_180, %slice3A_181 : vector<64x8xf32>
    %slice3A_183 = vector.extract_strided_slice %add3A_173 {offsets = [0, 40], sizes = [64, 8], strides = [1, 1]} : vector<64x128xf32> to vector<64x8xf32>
    %add3A_184 = arith.addf %add3A_182, %slice3A_183 : vector<64x8xf32>
    %slice3A_185 = vector.extract_strided_slice %add3A_173 {offsets = [0, 48], sizes = [64, 8], strides = [1, 1]} : vector<64x128xf32> to vector<64x8xf32>
    %add3A_186 = arith.addf %add3A_184, %slice3A_185 : vector<64x8xf32>
    %slice3A_187 = vector.extract_strided_slice %add3A_173 {offsets = [0, 56], sizes = [64, 8], strides = [1, 1]} : vector<64x128xf32> to vector<64x8xf32>
    %add3A_188 = arith.addf %add3A_186, %slice3A_187 : vector<64x8xf32>
    %slice3A_189 = vector.extract_strided_slice %add3A_173 {offsets = [0, 64], sizes = [64, 8], strides = [1, 1]} : vector<64x128xf32> to vector<64x8xf32>
    %add3A_190 = arith.addf %add3A_188, %slice3A_189 : vector<64x8xf32>
    %slice3A_191 = vector.extract_strided_slice %add3A_173 {offsets = [0, 72], sizes = [64, 8], strides = [1, 1]} : vector<64x128xf32> to vector<64x8xf32>
    %add3A_192 = arith.addf %add3A_190, %slice3A_191 : vector<64x8xf32>
    %slice3A_193 = vector.extract_strided_slice %add3A_173 {offsets = [0, 80], sizes = [64, 8], strides = [1, 1]} : vector<64x128xf32> to vector<64x8xf32>
    %add3A_194 = arith.addf %add3A_192, %slice3A_193 : vector<64x8xf32>
    %slice3A_195 = vector.extract_strided_slice %add3A_173 {offsets = [0, 88], sizes = [64, 8], strides = [1, 1]} : vector<64x128xf32> to vector<64x8xf32>
    %add3A_196 = arith.addf %add3A_194, %slice3A_195 : vector<64x8xf32>
    %slice3A_197 = vector.extract_strided_slice %add3A_173 {offsets = [0, 96], sizes = [64, 8], strides = [1, 1]} : vector<64x128xf32> to vector<64x8xf32>
    %add3A_198 = arith.addf %add3A_196, %slice3A_197 : vector<64x8xf32>
    %slice3A_199 = vector.extract_strided_slice %add3A_173 {offsets = [0, 104], sizes = [64, 8], strides = [1, 1]} : vector<64x128xf32> to vector<64x8xf32>
    %add3A_200 = arith.addf %add3A_198, %slice3A_199 : vector<64x8xf32>
    %slice3A_201 = vector.extract_strided_slice %add3A_173 {offsets = [0, 112], sizes = [64, 8], strides = [1, 1]} : vector<64x128xf32> to vector<64x8xf32>
    %add3A_202 = arith.addf %add3A_200, %slice3A_201 : vector<64x8xf32>
    %slice3A_203 = vector.extract_strided_slice %add3A_173 {offsets = [0, 120], sizes = [64, 8], strides = [1, 1]} : vector<64x128xf32> to vector<64x8xf32>
    %add3A_204 = arith.addf %add3A_202, %slice3A_203 : vector<64x8xf32>
    %slice3A_205 = vector.extract_strided_slice %add3A_204 {offsets = [0, 0], sizes = [64, 4], strides = [1, 1]} : vector<64x8xf32> to vector<64x4xf32>
    %slice3A_206 = vector.extract_strided_slice %add3A_204 {offsets = [0, 4], sizes = [64, 4], strides = [1, 1]} : vector<64x8xf32> to vector<64x4xf32>
    %add3A_207 = arith.addf %slice3A_205, %slice3A_206 : vector<64x4xf32>
    %slice3A_208 = vector.extract_strided_slice %add3A_207 {offsets = [0, 0], sizes = [64, 2], strides = [1, 1]} : vector<64x4xf32> to vector<64x2xf32>
    %slice3A_209 = vector.extract_strided_slice %add3A_207 {offsets = [0, 2], sizes = [64, 2], strides = [1, 1]} : vector<64x4xf32> to vector<64x2xf32>
    %add3A_210 = arith.addf %slice3A_208, %slice3A_209 : vector<64x2xf32>
    %slice3A_211 = vector.extract_strided_slice %add3A_210 {offsets = [0, 0], sizes = [64, 1], strides = [1, 1]} : vector<64x2xf32> to vector<64x1xf32>
    %slice3A_212 = vector.extract_strided_slice %add3A_210 {offsets = [0, 1], sizes = [64, 1], strides = [1, 1]} : vector<64x2xf32> to vector<64x1xf32>
    %add3A_213 = arith.addf %slice3A_211, %slice3A_212 : vector<64x1xf32>
    %max3A_214 = arith.constant 9.99999996E-13 : f32
    %max3A_215 = vector.broadcast %max3A_214 : f32 to vector<64x1xf32>
    %max3A_216 = arith.maximumf %add3A_213, %max3A_215 : vector<64x1xf32>
    %rsqrt3A_217 = math.rsqrt %max3A_216 : vector<64x1xf32>
    %mul3A_218 = vector.broadcast %rsqrt3A_217 : vector<64x1xf32> to vector<64x4096xf32>
    %mul3A_219 = arith.mulf %get3A_109, %mul3A_218 : vector<64x4096xf32>
    %dot_general3A = arith.constant dense<0.000000e+00> : vector<4x64xf32>
    %dot_general3A_220 = tpu.matmul %mul3A_106, %mul3A_219, %dot_general3A {dimension_numbers = #tpu.dot_dimension_numbers<[1], [1], [0], [0], [0, 0, 1, 0], [], []>, transpose_lhs_hint = false} : vector<4x4096xf32>, vector<64x4096xf32>, vector<4x64xf32> -> vector<4x64xf32>
    %iota3A = tpu.iota {dimensions = array<i32: 1>} : vector<4x64xi32>
    %reduce_max3A = arith.constant dense<0xFF800000> : vector<4xf32>
    %reduce_max3A_221 = vector.multi_reduction <maximumf>, %dot_general3A_220, %reduce_max3A [1] : vector<4x64xf32> to vector<4xf32>
    %broadcast_in_dim3A = vector.shape_cast %reduce_max3A_221 : vector<4xf32> to vector<4x1xf32>
    %ge3A = vector.broadcast %broadcast_in_dim3A : vector<4x1xf32> to vector<4x64xf32>
    %ge3A_222 = arith.cmpf oge, %dot_general3A_220, %ge3A : vector<4x64xf32>
    %jit3A = arith.constant 64 : i32
    %broadcast_in_dim3A_223 = vector.broadcast %jit3A : i32 to vector<4x64xi32>
    %select_n3A = arith.select %ge3A_222, %iota3A, %broadcast_in_dim3A_223 : vector<4x64xi1>, vector<4x64xi32>
    %reduce_min3A = arith.constant dense<2147483647> : vector<4xi32>
    %reduce_min3A_224 = vector.multi_reduction <minsi>, %select_n3A, %reduce_min3A [1] : vector<4x64xi32> to vector<4xi32>
    %broadcast_in_dim3A_225 = vector.shape_cast %reduce_min3A_224 : vector<4xi32> to vector<4x1xi32>
    %eq3A = vector.broadcast %broadcast_in_dim3A_225 : vector<4x1xi32> to vector<4x64xi32>
    %eq3A_226 = arith.cmpi eq, %iota3A, %eq3A : vector<4x64xi32>
    %jit3A_227 = arith.constant 0xFF800000 : f32
    %broadcast_in_dim3A_228 = vector.broadcast %jit3A_227 : f32 to vector<4x64xf32>
    %select_n3A_229 = arith.select %eq3A_226, %broadcast_in_dim3A_228, %dot_general3A_220 : vector<4x64xi1>, vector<4x64xf32>
    %reduce_max3A_230 = arith.constant dense<0xFF800000> : vector<4xf32>
    %reduce_max3A_231 = vector.multi_reduction <maximumf>, %select_n3A_229, %reduce_max3A_230 [1] : vector<4x64xf32> to vector<4xf32>
    %broadcast_in_dim3A_232 = vector.shape_cast %reduce_max3A_231 : vector<4xf32> to vector<4x1xf32>
    %ge3A_233 = vector.broadcast %broadcast_in_dim3A_232 : vector<4x1xf32> to vector<4x64xf32>
    %ge3A_234 = arith.cmpf oge, %select_n3A_229, %ge3A_233 : vector<4x64xf32>
    %jit3A_235 = arith.constant 64 : i32
    %broadcast_in_dim3A_236 = vector.broadcast %jit3A_235 : i32 to vector<4x64xi32>
    %select_n3A_237 = arith.select %ge3A_234, %iota3A, %broadcast_in_dim3A_236 : vector<4x64xi1>, vector<4x64xi32>
    %reduce_min3A_238 = arith.constant dense<2147483647> : vector<4xi32>
    %reduce_min3A_239 = vector.multi_reduction <minsi>, %select_n3A_237, %reduce_min3A_238 [1] : vector<4x64xi32> to vector<4xi32>
    %broadcast_in_dim3A_240 = vector.shape_cast %reduce_min3A_239 : vector<4xi32> to vector<4x1xi32>
    %eq3A_241 = vector.broadcast %broadcast_in_dim3A_240 : vector<4x1xi32> to vector<4x64xi32>
    %eq3A_242 = arith.cmpi eq, %iota3A, %eq3A_241 : vector<4x64xi32>
    %jit3A_243 = arith.constant 0xFF800000 : f32
    %broadcast_in_dim3A_244 = vector.broadcast %jit3A_243 : f32 to vector<4x64xf32>
    %select_n3A_245 = arith.select %eq3A_242, %broadcast_in_dim3A_244, %select_n3A_229 : vector<4x64xi1>, vector<4x64xf32>
    %reduce_max3A_246 = arith.constant dense<0xFF800000> : vector<4xf32>
    %reduce_max3A_247 = vector.multi_reduction <maximumf>, %select_n3A_245, %reduce_max3A_246 [1] : vector<4x64xf32> to vector<4xf32>
    %broadcast_in_dim3A_248 = vector.shape_cast %reduce_max3A_247 : vector<4xf32> to vector<4x1xf32>
    %ge3A_249 = vector.broadcast %broadcast_in_dim3A_248 : vector<4x1xf32> to vector<4x64xf32>
    %ge3A_250 = arith.cmpf oge, %select_n3A_245, %ge3A_249 : vector<4x64xf32>
    %jit3A_251 = arith.constant 64 : i32
    %broadcast_in_dim3A_252 = vector.broadcast %jit3A_251 : i32 to vector<4x64xi32>
    %select_n3A_253 = arith.select %ge3A_250, %iota3A, %broadcast_in_dim3A_252 : vector<4x64xi1>, vector<4x64xi32>
    %reduce_min3A_254 = arith.constant dense<2147483647> : vector<4xi32>
    %reduce_min3A_255 = vector.multi_reduction <minsi>, %select_n3A_253, %reduce_min3A_254 [1] : vector<4x64xi32> to vector<4xi32>
    %broadcast_in_dim3A_256 = vector.shape_cast %reduce_min3A_255 : vector<4xi32> to vector<4x1xi32>
    %eq3A_257 = vector.broadcast %broadcast_in_dim3A_256 : vector<4x1xi32> to vector<4x64xi32>
    %eq3A_258 = arith.cmpi eq, %iota3A, %eq3A_257 : vector<4x64xi32>
    %jit3A_259 = arith.constant 0xFF800000 : f32
    %broadcast_in_dim3A_260 = vector.broadcast %jit3A_259 : f32 to vector<4x64xf32>
    %select_n3A_261 = arith.select %eq3A_258, %broadcast_in_dim3A_260, %select_n3A_245 : vector<4x64xi1>, vector<4x64xf32>
    %reduce_max3A_262 = arith.constant dense<0xFF800000> : vector<4xf32>
    %reduce_max3A_263 = vector.multi_reduction <maximumf>, %select_n3A_261, %reduce_max3A_262 [1] : vector<4x64xf32> to vector<4xf32>
    %broadcast_in_dim3A_264 = vector.shape_cast %reduce_max3A_263 : vector<4xf32> to vector<4x1xf32>
    %ge3A_265 = vector.broadcast %broadcast_in_dim3A_264 : vector<4x1xf32> to vector<4x64xf32>
    %ge3A_266 = arith.cmpf oge, %select_n3A_261, %ge3A_265 : vector<4x64xf32>
    %jit3A_267 = arith.constant 64 : i32
    %broadcast_in_dim3A_268 = vector.broadcast %jit3A_267 : i32 to vector<4x64xi32>
    %select_n3A_269 = arith.select %ge3A_266, %iota3A, %broadcast_in_dim3A_268 : vector<4x64xi1>, vector<4x64xi32>
    %reduce_min3A_270 = arith.constant dense<2147483647> : vector<4xi32>
    %reduce_min3A_271 = vector.multi_reduction <minsi>, %select_n3A_269, %reduce_min3A_270 [1] : vector<4x64xi32> to vector<4xi32>
    %broadcast_in_dim3A_272 = vector.shape_cast %reduce_min3A_271 : vector<4xi32> to vector<4x1xi32>
    %eq3A_273 = vector.broadcast %broadcast_in_dim3A_272 : vector<4x1xi32> to vector<4x64xi32>
    %eq3A_274 = arith.cmpi eq, %iota3A, %eq3A_273 : vector<4x64xi32>
    %jit3A_275 = arith.constant 0xFF800000 : f32
    %broadcast_in_dim3A_276 = vector.broadcast %jit3A_275 : f32 to vector<4x64xf32>
    %select_n3A_277 = arith.select %eq3A_274, %broadcast_in_dim3A_276, %select_n3A_261 : vector<4x64xi1>, vector<4x64xf32>
    %reduce_max3A_278 = arith.constant dense<0xFF800000> : vector<4xf32>
    %reduce_max3A_279 = vector.multi_reduction <maximumf>, %select_n3A_277, %reduce_max3A_278 [1] : vector<4x64xf32> to vector<4xf32>
    %broadcast_in_dim3A_280 = vector.shape_cast %reduce_max3A_279 : vector<4xf32> to vector<4x1xf32>
    %ge3A_281 = vector.broadcast %broadcast_in_dim3A_280 : vector<4x1xf32> to vector<4x64xf32>
    %ge3A_282 = arith.cmpf oge, %select_n3A_277, %ge3A_281 : vector<4x64xf32>
    %jit3A_283 = arith.constant 64 : i32
    %broadcast_in_dim3A_284 = vector.broadcast %jit3A_283 : i32 to vector<4x64xi32>
    %select_n3A_285 = arith.select %ge3A_282, %iota3A, %broadcast_in_dim3A_284 : vector<4x64xi1>, vector<4x64xi32>
    %reduce_min3A_286 = arith.constant dense<2147483647> : vector<4xi32>
    %reduce_min3A_287 = vector.multi_reduction <minsi>, %select_n3A_285, %reduce_min3A_286 [1] : vector<4x64xi32> to vector<4xi32>
    %broadcast_in_dim3A_288 = vector.shape_cast %reduce_min3A_287 : vector<4xi32> to vector<4x1xi32>
    %eq3A_289 = vector.broadcast %broadcast_in_dim3A_288 : vector<4x1xi32> to vector<4x64xi32>
    %eq3A_290 = arith.cmpi eq, %iota3A, %eq3A_289 : vector<4x64xi32>
    %jit3A_291 = arith.constant 0xFF800000 : f32
    %broadcast_in_dim3A_292 = vector.broadcast %jit3A_291 : f32 to vector<4x64xf32>
    %select_n3A_293 = arith.select %eq3A_290, %broadcast_in_dim3A_292, %select_n3A_277 : vector<4x64xi1>, vector<4x64xf32>
    %reduce_max3A_294 = arith.constant dense<0xFF800000> : vector<4xf32>
    %reduce_max3A_295 = vector.multi_reduction <maximumf>, %select_n3A_293, %reduce_max3A_294 [1] : vector<4x64xf32> to vector<4xf32>
    %broadcast_in_dim3A_296 = vector.shape_cast %reduce_max3A_295 : vector<4xf32> to vector<4x1xf32>
    %ge3A_297 = vector.broadcast %broadcast_in_dim3A_296 : vector<4x1xf32> to vector<4x64xf32>
    %ge3A_298 = arith.cmpf oge, %select_n3A_293, %ge3A_297 : vector<4x64xf32>
    %jit3A_299 = arith.constant 64 : i32
    %broadcast_in_dim3A_300 = vector.broadcast %jit3A_299 : i32 to vector<4x64xi32>
    %select_n3A_301 = arith.select %ge3A_298, %iota3A, %broadcast_in_dim3A_300 : vector<4x64xi1>, vector<4x64xi32>
    %reduce_min3A_302 = arith.constant dense<2147483647> : vector<4xi32>
    %reduce_min3A_303 = vector.multi_reduction <minsi>, %select_n3A_301, %reduce_min3A_302 [1] : vector<4x64xi32> to vector<4xi32>
    %broadcast_in_dim3A_304 = vector.shape_cast %reduce_min3A_303 : vector<4xi32> to vector<4x1xi32>
    %eq3A_305 = vector.broadcast %broadcast_in_dim3A_304 : vector<4x1xi32> to vector<4x64xi32>
    %eq3A_306 = arith.cmpi eq, %iota3A, %eq3A_305 : vector<4x64xi32>
    %jit3A_307 = arith.constant 0xFF800000 : f32
    %broadcast_in_dim3A_308 = vector.broadcast %jit3A_307 : f32 to vector<4x64xf32>
    %select_n3A_309 = arith.select %eq3A_306, %broadcast_in_dim3A_308, %select_n3A_293 : vector<4x64xi1>, vector<4x64xf32>
    %reduce_max3A_310 = arith.constant dense<0xFF800000> : vector<4xf32>
    %reduce_max3A_311 = vector.multi_reduction <maximumf>, %select_n3A_309, %reduce_max3A_310 [1] : vector<4x64xf32> to vector<4xf32>
    %broadcast_in_dim3A_312 = vector.shape_cast %reduce_max3A_311 : vector<4xf32> to vector<4x1xf32>
    %ge3A_313 = vector.broadcast %broadcast_in_dim3A_312 : vector<4x1xf32> to vector<4x64xf32>
    %ge3A_314 = arith.cmpf oge, %select_n3A_309, %ge3A_313 : vector<4x64xf32>
    %jit3A_315 = arith.constant 64 : i32
    %broadcast_in_dim3A_316 = vector.broadcast %jit3A_315 : i32 to vector<4x64xi32>
    %select_n3A_317 = arith.select %ge3A_314, %iota3A, %broadcast_in_dim3A_316 : vector<4x64xi1>, vector<4x64xi32>
    %reduce_min3A_318 = arith.constant dense<2147483647> : vector<4xi32>
    %reduce_min3A_319 = vector.multi_reduction <minsi>, %select_n3A_317, %reduce_min3A_318 [1] : vector<4x64xi32> to vector<4xi32>
    %broadcast_in_dim3A_320 = vector.shape_cast %reduce_min3A_319 : vector<4xi32> to vector<4x1xi32>
    %eq3A_321 = vector.broadcast %broadcast_in_dim3A_320 : vector<4x1xi32> to vector<4x64xi32>
    %eq3A_322 = arith.cmpi eq, %iota3A, %eq3A_321 : vector<4x64xi32>
    %jit3A_323 = arith.constant 0xFF800000 : f32
    %broadcast_in_dim3A_324 = vector.broadcast %jit3A_323 : f32 to vector<4x64xf32>
    %select_n3A_325 = arith.select %eq3A_322, %broadcast_in_dim3A_324, %select_n3A_309 : vector<4x64xi1>, vector<4x64xf32>
    %reduce_max3A_326 = arith.constant dense<0xFF800000> : vector<4xf32>
    %reduce_max3A_327 = vector.multi_reduction <maximumf>, %select_n3A_325, %reduce_max3A_326 [1] : vector<4x64xf32> to vector<4xf32>
    %broadcast_in_dim3A_328 = vector.shape_cast %reduce_max3A_327 : vector<4xf32> to vector<4x1xf32>
    %ge3A_329 = vector.broadcast %broadcast_in_dim3A_328 : vector<4x1xf32> to vector<4x64xf32>
    %ge3A_330 = arith.cmpf oge, %select_n3A_325, %ge3A_329 : vector<4x64xf32>
    %jit3A_331 = arith.constant 64 : i32
    %broadcast_in_dim3A_332 = vector.broadcast %jit3A_331 : i32 to vector<4x64xi32>
    %select_n3A_333 = arith.select %ge3A_330, %iota3A, %broadcast_in_dim3A_332 : vector<4x64xi1>, vector<4x64xi32>
    %reduce_min3A_334 = arith.constant dense<2147483647> : vector<4xi32>
    %reduce_min3A_335 = vector.multi_reduction <minsi>, %select_n3A_333, %reduce_min3A_334 [1] : vector<4x64xi32> to vector<4xi32>
    %broadcast_in_dim3A_336 = vector.shape_cast %reduce_min3A_335 : vector<4xi32> to vector<4x1xi32>
    %eq3A_337 = vector.broadcast %broadcast_in_dim3A_336 : vector<4x1xi32> to vector<4x64xi32>
    %eq3A_338 = arith.cmpi eq, %iota3A, %eq3A_337 : vector<4x64xi32>
    %iota3A_339 = tpu.iota {dimensions = array<i32: 1>} : vector<4x8x64xi32>
    %broadcast_in_dim3A_340 = arith.constant 0.000000e+00 : f32
    %broadcast_in_dim3A_341 = vector.broadcast %broadcast_in_dim3A_340 : f32 to vector<4x8x64xf32>
    %eq3A_342 = arith.constant 0 : i32
    %eq3A_343 = vector.broadcast %eq3A_342 : i32 to vector<4x8x64xi32>
    %eq3A_344 = arith.cmpi eq, %iota3A_339, %eq3A_343 : vector<4x8x64xi32>
    %broadcast_in_dim3A_345 = vector.shape_cast %eq3A_226 : vector<4x64xi1> to vector<4x1x64xi1>
    %convert_element_type3A = arith.extui %broadcast_in_dim3A_345 : vector<4x1x64xi1> to vector<4x1x64xi32>
    %convert_element_type3A_346 = arith.sitofp %convert_element_type3A : vector<4x1x64xi32> to vector<4x1x64xf32>
    %broadcast_in_dim3A_347 = vector.shape_cast %convert_element_type3A_346 : vector<4x1x64xf32> to vector<4x1x64xf32>
    %broadcast_in_dim3A_348 = vector.broadcast %broadcast_in_dim3A_347 : vector<4x1x64xf32> to vector<4x8x64xf32>
    %select_n3A_349 = arith.select %eq3A_344, %broadcast_in_dim3A_348, %broadcast_in_dim3A_341 : vector<4x8x64xi1>, vector<4x8x64xf32>
    %eq3A_350 = arith.constant 1 : i32
    %eq3A_351 = vector.broadcast %eq3A_350 : i32 to vector<4x8x64xi32>
    %eq3A_352 = arith.cmpi eq, %iota3A_339, %eq3A_351 : vector<4x8x64xi32>
    %broadcast_in_dim3A_353 = vector.shape_cast %eq3A_242 : vector<4x64xi1> to vector<4x1x64xi1>
    %convert_element_type3A_354 = arith.extui %broadcast_in_dim3A_353 : vector<4x1x64xi1> to vector<4x1x64xi32>
    %convert_element_type3A_355 = arith.sitofp %convert_element_type3A_354 : vector<4x1x64xi32> to vector<4x1x64xf32>
    %broadcast_in_dim3A_356 = vector.shape_cast %convert_element_type3A_355 : vector<4x1x64xf32> to vector<4x1x64xf32>
    %broadcast_in_dim3A_357 = vector.broadcast %broadcast_in_dim3A_356 : vector<4x1x64xf32> to vector<4x8x64xf32>
    %select_n3A_358 = arith.select %eq3A_352, %broadcast_in_dim3A_357, %select_n3A_349 : vector<4x8x64xi1>, vector<4x8x64xf32>
    %eq3A_359 = arith.constant 2 : i32
    %eq3A_360 = vector.broadcast %eq3A_359 : i32 to vector<4x8x64xi32>
    %eq3A_361 = arith.cmpi eq, %iota3A_339, %eq3A_360 : vector<4x8x64xi32>
    %broadcast_in_dim3A_362 = vector.shape_cast %eq3A_258 : vector<4x64xi1> to vector<4x1x64xi1>
    %convert_element_type3A_363 = arith.extui %broadcast_in_dim3A_362 : vector<4x1x64xi1> to vector<4x1x64xi32>
    %convert_element_type3A_364 = arith.sitofp %convert_element_type3A_363 : vector<4x1x64xi32> to vector<4x1x64xf32>
    %broadcast_in_dim3A_365 = vector.shape_cast %convert_element_type3A_364 : vector<4x1x64xf32> to vector<4x1x64xf32>
    %broadcast_in_dim3A_366 = vector.broadcast %broadcast_in_dim3A_365 : vector<4x1x64xf32> to vector<4x8x64xf32>
    %select_n3A_367 = arith.select %eq3A_361, %broadcast_in_dim3A_366, %select_n3A_358 : vector<4x8x64xi1>, vector<4x8x64xf32>
    %eq3A_368 = arith.constant 3 : i32
    %eq3A_369 = vector.broadcast %eq3A_368 : i32 to vector<4x8x64xi32>
    %eq3A_370 = arith.cmpi eq, %iota3A_339, %eq3A_369 : vector<4x8x64xi32>
    %broadcast_in_dim3A_371 = vector.shape_cast %eq3A_274 : vector<4x64xi1> to vector<4x1x64xi1>
    %convert_element_type3A_372 = arith.extui %broadcast_in_dim3A_371 : vector<4x1x64xi1> to vector<4x1x64xi32>
    %convert_element_type3A_373 = arith.sitofp %convert_element_type3A_372 : vector<4x1x64xi32> to vector<4x1x64xf32>
    %broadcast_in_dim3A_374 = vector.shape_cast %convert_element_type3A_373 : vector<4x1x64xf32> to vector<4x1x64xf32>
    %broadcast_in_dim3A_375 = vector.broadcast %broadcast_in_dim3A_374 : vector<4x1x64xf32> to vector<4x8x64xf32>
    %select_n3A_376 = arith.select %eq3A_370, %broadcast_in_dim3A_375, %select_n3A_367 : vector<4x8x64xi1>, vector<4x8x64xf32>
    %eq3A_377 = arith.constant 4 : i32
    %eq3A_378 = vector.broadcast %eq3A_377 : i32 to vector<4x8x64xi32>
    %eq3A_379 = arith.cmpi eq, %iota3A_339, %eq3A_378 : vector<4x8x64xi32>
    %broadcast_in_dim3A_380 = vector.shape_cast %eq3A_290 : vector<4x64xi1> to vector<4x1x64xi1>
    %convert_element_type3A_381 = arith.extui %broadcast_in_dim3A_380 : vector<4x1x64xi1> to vector<4x1x64xi32>
    %convert_element_type3A_382 = arith.sitofp %convert_element_type3A_381 : vector<4x1x64xi32> to vector<4x1x64xf32>
    %broadcast_in_dim3A_383 = vector.shape_cast %convert_element_type3A_382 : vector<4x1x64xf32> to vector<4x1x64xf32>
    %broadcast_in_dim3A_384 = vector.broadcast %broadcast_in_dim3A_383 : vector<4x1x64xf32> to vector<4x8x64xf32>
    %select_n3A_385 = arith.select %eq3A_379, %broadcast_in_dim3A_384, %select_n3A_376 : vector<4x8x64xi1>, vector<4x8x64xf32>
    %eq3A_386 = arith.constant 5 : i32
    %eq3A_387 = vector.broadcast %eq3A_386 : i32 to vector<4x8x64xi32>
    %eq3A_388 = arith.cmpi eq, %iota3A_339, %eq3A_387 : vector<4x8x64xi32>
    %broadcast_in_dim3A_389 = vector.shape_cast %eq3A_306 : vector<4x64xi1> to vector<4x1x64xi1>
    %convert_element_type3A_390 = arith.extui %broadcast_in_dim3A_389 : vector<4x1x64xi1> to vector<4x1x64xi32>
    %convert_element_type3A_391 = arith.sitofp %convert_element_type3A_390 : vector<4x1x64xi32> to vector<4x1x64xf32>
    %broadcast_in_dim3A_392 = vector.shape_cast %convert_element_type3A_391 : vector<4x1x64xf32> to vector<4x1x64xf32>
    %broadcast_in_dim3A_393 = vector.broadcast %broadcast_in_dim3A_392 : vector<4x1x64xf32> to vector<4x8x64xf32>
    %select_n3A_394 = arith.select %eq3A_388, %broadcast_in_dim3A_393, %select_n3A_385 : vector<4x8x64xi1>, vector<4x8x64xf32>
    %eq3A_395 = arith.constant 6 : i32
    %eq3A_396 = vector.broadcast %eq3A_395 : i32 to vector<4x8x64xi32>
    %eq3A_397 = arith.cmpi eq, %iota3A_339, %eq3A_396 : vector<4x8x64xi32>
    %broadcast_in_dim3A_398 = vector.shape_cast %eq3A_322 : vector<4x64xi1> to vector<4x1x64xi1>
    %convert_element_type3A_399 = arith.extui %broadcast_in_dim3A_398 : vector<4x1x64xi1> to vector<4x1x64xi32>
    %convert_element_type3A_400 = arith.sitofp %convert_element_type3A_399 : vector<4x1x64xi32> to vector<4x1x64xf32>
    %broadcast_in_dim3A_401 = vector.shape_cast %convert_element_type3A_400 : vector<4x1x64xf32> to vector<4x1x64xf32>
    %broadcast_in_dim3A_402 = vector.broadcast %broadcast_in_dim3A_401 : vector<4x1x64xf32> to vector<4x8x64xf32>
    %select_n3A_403 = arith.select %eq3A_397, %broadcast_in_dim3A_402, %select_n3A_394 : vector<4x8x64xi1>, vector<4x8x64xf32>
    %eq3A_404 = arith.constant 7 : i32
    %eq3A_405 = vector.broadcast %eq3A_404 : i32 to vector<4x8x64xi32>
    %eq3A_406 = arith.cmpi eq, %iota3A_339, %eq3A_405 : vector<4x8x64xi32>
    %broadcast_in_dim3A_407 = vector.shape_cast %eq3A_338 : vector<4x64xi1> to vector<4x1x64xi1>
    %convert_element_type3A_408 = arith.extui %broadcast_in_dim3A_407 : vector<4x1x64xi1> to vector<4x1x64xi32>
    %convert_element_type3A_409 = arith.sitofp %convert_element_type3A_408 : vector<4x1x64xi32> to vector<4x1x64xf32>
    %broadcast_in_dim3A_410 = vector.shape_cast %convert_element_type3A_409 : vector<4x1x64xf32> to vector<4x1x64xf32>
    %broadcast_in_dim3A_411 = vector.broadcast %broadcast_in_dim3A_410 : vector<4x1x64xf32> to vector<4x8x64xf32>
    %select_n3A_412 = arith.select %eq3A_406, %broadcast_in_dim3A_411, %select_n3A_403 : vector<4x8x64xi1>, vector<4x8x64xf32>
    %reshape3A = vector.shape_cast %select_n3A_412 : vector<4x8x64xf32> to vector<32x64xf32>
    %dot_general3A_413 = arith.constant dense<0.000000e+00> : vector<32x4096xf32>
    %dot_general3A_414 = tpu.matmul %reshape3A, %mul3A_219, %dot_general3A_413 {dimension_numbers = #tpu.dot_dimension_numbers<[1], [0], [0], [1], [0, 0, 1, 1], [], []>, precision = #tpu.contract_precision<fp32>, transpose_lhs_hint = false} : vector<32x64xf32>, vector<64x4096xf32>, vector<32x4096xf32> -> vector<32x4096xf32>
    %reshape3A_415 = vector.shape_cast %dot_general3A_414 : vector<32x4096xf32> to vector<4x8x4096xf32>
    %broadcast_in_dim3A_416 = vector.shape_cast %mul3A_106 : vector<4x4096xf32> to vector<4x1x4096xf32>
    %mul3A_417 = vector.broadcast %broadcast_in_dim3A_416 : vector<4x1x4096xf32> to vector<4x8x4096xf32>
    %mul3A_418 = arith.mulf %reshape3A_415, %mul3A_417 : vector<4x8x4096xf32>
    %swap3A = arith.constant 0 : index
    %swap3A_419 = arith.constant 0 : index
    %swap3A_420 = arith.constant 0 : index
    %swap3A_421 = vector.load %arg2[%swap3A, %swap3A_419, %swap3A_420] : memref<4x8x4096xf32, #tpu.memory_space<vmem>>, vector<4x8x4096xf32>
    tpu.vector_store %arg2[%swap3A, %swap3A_419, %swap3A_420], %mul3A_418 {strides = array<i32>} : memref<4x8x4096xf32, #tpu.memory_space<vmem>>, vector<4x8x4096xf32>,
    return
  }
}

module attributes {stable_mosaic.version = 14 : i64} {
  func.func @_idx_body(%arg0: memref<4x4096xf32, #tpu.memory_space<vmem>>, %arg1: memref<64x4096xf32, #tpu.memory_space<vmem>>, %arg2: memref<4x8x2x8xi32, #tpu.memory_space<vmem>>) attributes {dimension_semantics = [], scalar_prefetch = 0 : i64, scratch_operands = 0 : i64, tpu.core_type = #tpu.core_type<tc>} {
    %get3A = arith.constant 0 : index
    %get3A_0 = arith.constant 0 : index
    %get3A_1 = vector.load %arg0[%get3A, %get3A_0] : memref<4x4096xf32, #tpu.memory_space<vmem>>, vector<4x4096xf32>
    %mul3A = arith.mulf %get3A_1, %get3A_1 : vector<4x4096xf32>
    %slice3A = vector.extract_strided_slice %mul3A {offsets = [0, 0], sizes = [4, 128], strides = [1, 1]} : vector<4x4096xf32> to vector<4x128xf32>
    %slice3A_2 = vector.extract_strided_slice %mul3A {offsets = [0, 128], sizes = [4, 128], strides = [1, 1]} : vector<4x4096xf32> to vector<4x128xf32>
    %add3A = arith.addf %slice3A, %slice3A_2 : vector<4x128xf32>
    %slice3A_3 = vector.extract_strided_slice %mul3A {offsets = [0, 256], sizes = [4, 128], strides = [1, 1]} : vector<4x4096xf32> to vector<4x128xf32>
    %add3A_4 = arith.addf %add3A, %slice3A_3 : vector<4x128xf32>
    %slice3A_5 = vector.extract_strided_slice %mul3A {offsets = [0, 384], sizes = [4, 128], strides = [1, 1]} : vector<4x4096xf32> to vector<4x128xf32>
    %add3A_6 = arith.addf %add3A_4, %slice3A_5 : vector<4x128xf32>
    %slice3A_7 = vector.extract_strided_slice %mul3A {offsets = [0, 512], sizes = [4, 128], strides = [1, 1]} : vector<4x4096xf32> to vector<4x128xf32>
    %add3A_8 = arith.addf %add3A_6, %slice3A_7 : vector<4x128xf32>
    %slice3A_9 = vector.extract_strided_slice %mul3A {offsets = [0, 640], sizes = [4, 128], strides = [1, 1]} : vector<4x4096xf32> to vector<4x128xf32>
    %add3A_10 = arith.addf %add3A_8, %slice3A_9 : vector<4x128xf32>
    %slice3A_11 = vector.extract_strided_slice %mul3A {offsets = [0, 768], sizes = [4, 128], strides = [1, 1]} : vector<4x4096xf32> to vector<4x128xf32>
    %add3A_12 = arith.addf %add3A_10, %slice3A_11 : vector<4x128xf32>
    %slice3A_13 = vector.extract_strided_slice %mul3A {offsets = [0, 896], sizes = [4, 128], strides = [1, 1]} : vector<4x4096xf32> to vector<4x128xf32>
    %add3A_14 = arith.addf %add3A_12, %slice3A_13 : vector<4x128xf32>
    %slice3A_15 = vector.extract_strided_slice %mul3A {offsets = [0, 1024], sizes = [4, 128], strides = [1, 1]} : vector<4x4096xf32> to vector<4x128xf32>
    %add3A_16 = arith.addf %add3A_14, %slice3A_15 : vector<4x128xf32>
    %slice3A_17 = vector.extract_strided_slice %mul3A {offsets = [0, 1152], sizes = [4, 128], strides = [1, 1]} : vector<4x4096xf32> to vector<4x128xf32>
    %add3A_18 = arith.addf %add3A_16, %slice3A_17 : vector<4x128xf32>
    %slice3A_19 = vector.extract_strided_slice %mul3A {offsets = [0, 1280], sizes = [4, 128], strides = [1, 1]} : vector<4x4096xf32> to vector<4x128xf32>
    %add3A_20 = arith.addf %add3A_18, %slice3A_19 : vector<4x128xf32>
    %slice3A_21 = vector.extract_strided_slice %mul3A {offsets = [0, 1408], sizes = [4, 128], strides = [1, 1]} : vector<4x4096xf32> to vector<4x128xf32>
    %add3A_22 = arith.addf %add3A_20, %slice3A_21 : vector<4x128xf32>
    %slice3A_23 = vector.extract_strided_slice %mul3A {offsets = [0, 1536], sizes = [4, 128], strides = [1, 1]} : vector<4x4096xf32> to vector<4x128xf32>
    %add3A_24 = arith.addf %add3A_22, %slice3A_23 : vector<4x128xf32>
    %slice3A_25 = vector.extract_strided_slice %mul3A {offsets = [0, 1664], sizes = [4, 128], strides = [1, 1]} : vector<4x4096xf32> to vector<4x128xf32>
    %add3A_26 = arith.addf %add3A_24, %slice3A_25 : vector<4x128xf32>
    %slice3A_27 = vector.extract_strided_slice %mul3A {offsets = [0, 1792], sizes = [4, 128], strides = [1, 1]} : vector<4x4096xf32> to vector<4x128xf32>
    %add3A_28 = arith.addf %add3A_26, %slice3A_27 : vector<4x128xf32>
    %slice3A_29 = vector.extract_strided_slice %mul3A {offsets = [0, 1920], sizes = [4, 128], strides = [1, 1]} : vector<4x4096xf32> to vector<4x128xf32>
    %add3A_30 = arith.addf %add3A_28, %slice3A_29 : vector<4x128xf32>
    %slice3A_31 = vector.extract_strided_slice %mul3A {offsets = [0, 2048], sizes = [4, 128], strides = [1, 1]} : vector<4x4096xf32> to vector<4x128xf32>
    %add3A_32 = arith.addf %add3A_30, %slice3A_31 : vector<4x128xf32>
    %slice3A_33 = vector.extract_strided_slice %mul3A {offsets = [0, 2176], sizes = [4, 128], strides = [1, 1]} : vector<4x4096xf32> to vector<4x128xf32>
    %add3A_34 = arith.addf %add3A_32, %slice3A_33 : vector<4x128xf32>
    %slice3A_35 = vector.extract_strided_slice %mul3A {offsets = [0, 2304], sizes = [4, 128], strides = [1, 1]} : vector<4x4096xf32> to vector<4x128xf32>
    %add3A_36 = arith.addf %add3A_34, %slice3A_35 : vector<4x128xf32>
    %slice3A_37 = vector.extract_strided_slice %mul3A {offsets = [0, 2432], sizes = [4, 128], strides = [1, 1]} : vector<4x4096xf32> to vector<4x128xf32>
    %add3A_38 = arith.addf %add3A_36, %slice3A_37 : vector<4x128xf32>
    %slice3A_39 = vector.extract_strided_slice %mul3A {offsets = [0, 2560], sizes = [4, 128], strides = [1, 1]} : vector<4x4096xf32> to vector<4x128xf32>
    %add3A_40 = arith.addf %add3A_38, %slice3A_39 : vector<4x128xf32>
    %slice3A_41 = vector.extract_strided_slice %mul3A {offsets = [0, 2688], sizes = [4, 128], strides = [1, 1]} : vector<4x4096xf32> to vector<4x128xf32>
    %add3A_42 = arith.addf %add3A_40, %slice3A_41 : vector<4x128xf32>
    %slice3A_43 = vector.extract_strided_slice %mul3A {offsets = [0, 2816], sizes = [4, 128], strides = [1, 1]} : vector<4x4096xf32> to vector<4x128xf32>
    %add3A_44 = arith.addf %add3A_42, %slice3A_43 : vector<4x128xf32>
    %slice3A_45 = vector.extract_strided_slice %mul3A {offsets = [0, 2944], sizes = [4, 128], strides = [1, 1]} : vector<4x4096xf32> to vector<4x128xf32>
    %add3A_46 = arith.addf %add3A_44, %slice3A_45 : vector<4x128xf32>
    %slice3A_47 = vector.extract_strided_slice %mul3A {offsets = [0, 3072], sizes = [4, 128], strides = [1, 1]} : vector<4x4096xf32> to vector<4x128xf32>
    %add3A_48 = arith.addf %add3A_46, %slice3A_47 : vector<4x128xf32>
    %slice3A_49 = vector.extract_strided_slice %mul3A {offsets = [0, 3200], sizes = [4, 128], strides = [1, 1]} : vector<4x4096xf32> to vector<4x128xf32>
    %add3A_50 = arith.addf %add3A_48, %slice3A_49 : vector<4x128xf32>
    %slice3A_51 = vector.extract_strided_slice %mul3A {offsets = [0, 3328], sizes = [4, 128], strides = [1, 1]} : vector<4x4096xf32> to vector<4x128xf32>
    %add3A_52 = arith.addf %add3A_50, %slice3A_51 : vector<4x128xf32>
    %slice3A_53 = vector.extract_strided_slice %mul3A {offsets = [0, 3456], sizes = [4, 128], strides = [1, 1]} : vector<4x4096xf32> to vector<4x128xf32>
    %add3A_54 = arith.addf %add3A_52, %slice3A_53 : vector<4x128xf32>
    %slice3A_55 = vector.extract_strided_slice %mul3A {offsets = [0, 3584], sizes = [4, 128], strides = [1, 1]} : vector<4x4096xf32> to vector<4x128xf32>
    %add3A_56 = arith.addf %add3A_54, %slice3A_55 : vector<4x128xf32>
    %slice3A_57 = vector.extract_strided_slice %mul3A {offsets = [0, 3712], sizes = [4, 128], strides = [1, 1]} : vector<4x4096xf32> to vector<4x128xf32>
    %add3A_58 = arith.addf %add3A_56, %slice3A_57 : vector<4x128xf32>
    %slice3A_59 = vector.extract_strided_slice %mul3A {offsets = [0, 3840], sizes = [4, 128], strides = [1, 1]} : vector<4x4096xf32> to vector<4x128xf32>
    %add3A_60 = arith.addf %add3A_58, %slice3A_59 : vector<4x128xf32>
    %slice3A_61 = vector.extract_strided_slice %mul3A {offsets = [0, 3968], sizes = [4, 128], strides = [1, 1]} : vector<4x4096xf32> to vector<4x128xf32>
    %add3A_62 = arith.addf %add3A_60, %slice3A_61 : vector<4x128xf32>
    %slice3A_63 = vector.extract_strided_slice %add3A_62 {offsets = [0, 0], sizes = [4, 8], strides = [1, 1]} : vector<4x128xf32> to vector<4x8xf32>
    %slice3A_64 = vector.extract_strided_slice %add3A_62 {offsets = [0, 8], sizes = [4, 8], strides = [1, 1]} : vector<4x128xf32> to vector<4x8xf32>
    %add3A_65 = arith.addf %slice3A_63, %slice3A_64 : vector<4x8xf32>
    %slice3A_66 = vector.extract_strided_slice %add3A_62 {offsets = [0, 16], sizes = [4, 8], strides = [1, 1]} : vector<4x128xf32> to vector<4x8xf32>
    %add3A_67 = arith.addf %add3A_65, %slice3A_66 : vector<4x8xf32>
    %slice3A_68 = vector.extract_strided_slice %add3A_62 {offsets = [0, 24], sizes = [4, 8], strides = [1, 1]} : vector<4x128xf32> to vector<4x8xf32>
    %add3A_69 = arith.addf %add3A_67, %slice3A_68 : vector<4x8xf32>
    %slice3A_70 = vector.extract_strided_slice %add3A_62 {offsets = [0, 32], sizes = [4, 8], strides = [1, 1]} : vector<4x128xf32> to vector<4x8xf32>
    %add3A_71 = arith.addf %add3A_69, %slice3A_70 : vector<4x8xf32>
    %slice3A_72 = vector.extract_strided_slice %add3A_62 {offsets = [0, 40], sizes = [4, 8], strides = [1, 1]} : vector<4x128xf32> to vector<4x8xf32>
    %add3A_73 = arith.addf %add3A_71, %slice3A_72 : vector<4x8xf32>
    %slice3A_74 = vector.extract_strided_slice %add3A_62 {offsets = [0, 48], sizes = [4, 8], strides = [1, 1]} : vector<4x128xf32> to vector<4x8xf32>
    %add3A_75 = arith.addf %add3A_73, %slice3A_74 : vector<4x8xf32>
    %slice3A_76 = vector.extract_strided_slice %add3A_62 {offsets = [0, 56], sizes = [4, 8], strides = [1, 1]} : vector<4x128xf32> to vector<4x8xf32>
    %add3A_77 = arith.addf %add3A_75, %slice3A_76 : vector<4x8xf32>
    %slice3A_78 = vector.extract_strided_slice %add3A_62 {offsets = [0, 64], sizes = [4, 8], strides = [1, 1]} : vector<4x128xf32> to vector<4x8xf32>
    %add3A_79 = arith.addf %add3A_77, %slice3A_78 : vector<4x8xf32>
    %slice3A_80 = vector.extract_strided_slice %add3A_62 {offsets = [0, 72], sizes = [4, 8], strides = [1, 1]} : vector<4x128xf32> to vector<4x8xf32>
    %add3A_81 = arith.addf %add3A_79, %slice3A_80 : vector<4x8xf32>
    %slice3A_82 = vector.extract_strided_slice %add3A_62 {offsets = [0, 80], sizes = [4, 8], strides = [1, 1]} : vector<4x128xf32> to vector<4x8xf32>
    %add3A_83 = arith.addf %add3A_81, %slice3A_82 : vector<4x8xf32>
    %slice3A_84 = vector.extract_strided_slice %add3A_62 {offsets = [0, 88], sizes = [4, 8], strides = [1, 1]} : vector<4x128xf32> to vector<4x8xf32>
    %add3A_85 = arith.addf %add3A_83, %slice3A_84 : vector<4x8xf32>
    %slice3A_86 = vector.extract_strided_slice %add3A_62 {offsets = [0, 96], sizes = [4, 8], strides = [1, 1]} : vector<4x128xf32> to vector<4x8xf32>
    %add3A_87 = arith.addf %add3A_85, %slice3A_86 : vector<4x8xf32>
    %slice3A_88 = vector.extract_strided_slice %add3A_62 {offsets = [0, 104], sizes = [4, 8], strides = [1, 1]} : vector<4x128xf32> to vector<4x8xf32>
    %add3A_89 = arith.addf %add3A_87, %slice3A_88 : vector<4x8xf32>
    %slice3A_90 = vector.extract_strided_slice %add3A_62 {offsets = [0, 112], sizes = [4, 8], strides = [1, 1]} : vector<4x128xf32> to vector<4x8xf32>
    %add3A_91 = arith.addf %add3A_89, %slice3A_90 : vector<4x8xf32>
    %slice3A_92 = vector.extract_strided_slice %add3A_62 {offsets = [0, 120], sizes = [4, 8], strides = [1, 1]} : vector<4x128xf32> to vector<4x8xf32>
    %add3A_93 = arith.addf %add3A_91, %slice3A_92 : vector<4x8xf32>
    %slice3A_94 = vector.extract_strided_slice %add3A_93 {offsets = [0, 0], sizes = [4, 4], strides = [1, 1]} : vector<4x8xf32> to vector<4x4xf32>
    %slice3A_95 = vector.extract_strided_slice %add3A_93 {offsets = [0, 4], sizes = [4, 4], strides = [1, 1]} : vector<4x8xf32> to vector<4x4xf32>
    %add3A_96 = arith.addf %slice3A_94, %slice3A_95 : vector<4x4xf32>
    %slice3A_97 = vector.extract_strided_slice %add3A_96 {offsets = [0, 0], sizes = [4, 2], strides = [1, 1]} : vector<4x4xf32> to vector<4x2xf32>
    %slice3A_98 = vector.extract_strided_slice %add3A_96 {offsets = [0, 2], sizes = [4, 2], strides = [1, 1]} : vector<4x4xf32> to vector<4x2xf32>
    %add3A_99 = arith.addf %slice3A_97, %slice3A_98 : vector<4x2xf32>
    %slice3A_100 = vector.extract_strided_slice %add3A_99 {offsets = [0, 0], sizes = [4, 1], strides = [1, 1]} : vector<4x2xf32> to vector<4x1xf32>
    %slice3A_101 = vector.extract_strided_slice %add3A_99 {offsets = [0, 1], sizes = [4, 1], strides = [1, 1]} : vector<4x2xf32> to vector<4x1xf32>
    %add3A_102 = arith.addf %slice3A_100, %slice3A_101 : vector<4x1xf32>
    %max3A = arith.constant 9.99999996E-13 : f32
    %max3A_103 = vector.broadcast %max3A : f32 to vector<4x1xf32>
    %max3A_104 = arith.maximumf %add3A_102, %max3A_103 : vector<4x1xf32>
    %rsqrt3A = math.rsqrt %max3A_104 : vector<4x1xf32>
    %mul3A_105 = vector.broadcast %rsqrt3A : vector<4x1xf32> to vector<4x4096xf32>
    %mul3A_106 = arith.mulf %get3A_1, %mul3A_105 : vector<4x4096xf32>
    %get3A_107 = arith.constant 0 : index
    %get3A_108 = arith.constant 0 : index
    %get3A_109 = vector.load %arg1[%get3A_107, %get3A_108] : memref<64x4096xf32, #tpu.memory_space<vmem>>, vector<64x4096xf32>
    %mul3A_110 = arith.mulf %get3A_109, %get3A_109 : vector<64x4096xf32>
    %slice3A_111 = vector.extract_strided_slice %mul3A_110 {offsets = [0, 0], sizes = [64, 128], strides = [1, 1]} : vector<64x4096xf32> to vector<64x128xf32>
    %slice3A_112 = vector.extract_strided_slice %mul3A_110 {offsets = [0, 128], sizes = [64, 128], strides = [1, 1]} : vector<64x4096xf32> to vector<64x128xf32>
    %add3A_113 = arith.addf %slice3A_111, %slice3A_112 : vector<64x128xf32>
    %slice3A_114 = vector.extract_strided_slice %mul3A_110 {offsets = [0, 256], sizes = [64, 128], strides = [1, 1]} : vector<64x4096xf32> to vector<64x128xf32>
    %add3A_115 = arith.addf %add3A_113, %slice3A_114 : vector<64x128xf32>
    %slice3A_116 = vector.extract_strided_slice %mul3A_110 {offsets = [0, 384], sizes = [64, 128], strides = [1, 1]} : vector<64x4096xf32> to vector<64x128xf32>
    %add3A_117 = arith.addf %add3A_115, %slice3A_116 : vector<64x128xf32>
    %slice3A_118 = vector.extract_strided_slice %mul3A_110 {offsets = [0, 512], sizes = [64, 128], strides = [1, 1]} : vector<64x4096xf32> to vector<64x128xf32>
    %add3A_119 = arith.addf %add3A_117, %slice3A_118 : vector<64x128xf32>
    %slice3A_120 = vector.extract_strided_slice %mul3A_110 {offsets = [0, 640], sizes = [64, 128], strides = [1, 1]} : vector<64x4096xf32> to vector<64x128xf32>
    %add3A_121 = arith.addf %add3A_119, %slice3A_120 : vector<64x128xf32>
    %slice3A_122 = vector.extract_strided_slice %mul3A_110 {offsets = [0, 768], sizes = [64, 128], strides = [1, 1]} : vector<64x4096xf32> to vector<64x128xf32>
    %add3A_123 = arith.addf %add3A_121, %slice3A_122 : vector<64x128xf32>
    %slice3A_124 = vector.extract_strided_slice %mul3A_110 {offsets = [0, 896], sizes = [64, 128], strides = [1, 1]} : vector<64x4096xf32> to vector<64x128xf32>
    %add3A_125 = arith.addf %add3A_123, %slice3A_124 : vector<64x128xf32>
    %slice3A_126 = vector.extract_strided_slice %mul3A_110 {offsets = [0, 1024], sizes = [64, 128], strides = [1, 1]} : vector<64x4096xf32> to vector<64x128xf32>
    %add3A_127 = arith.addf %add3A_125, %slice3A_126 : vector<64x128xf32>
    %slice3A_128 = vector.extract_strided_slice %mul3A_110 {offsets = [0, 1152], sizes = [64, 128], strides = [1, 1]} : vector<64x4096xf32> to vector<64x128xf32>
    %add3A_129 = arith.addf %add3A_127, %slice3A_128 : vector<64x128xf32>
    %slice3A_130 = vector.extract_strided_slice %mul3A_110 {offsets = [0, 1280], sizes = [64, 128], strides = [1, 1]} : vector<64x4096xf32> to vector<64x128xf32>
    %add3A_131 = arith.addf %add3A_129, %slice3A_130 : vector<64x128xf32>
    %slice3A_132 = vector.extract_strided_slice %mul3A_110 {offsets = [0, 1408], sizes = [64, 128], strides = [1, 1]} : vector<64x4096xf32> to vector<64x128xf32>
    %add3A_133 = arith.addf %add3A_131, %slice3A_132 : vector<64x128xf32>
    %slice3A_134 = vector.extract_strided_slice %mul3A_110 {offsets = [0, 1536], sizes = [64, 128], strides = [1, 1]} : vector<64x4096xf32> to vector<64x128xf32>
    %add3A_135 = arith.addf %add3A_133, %slice3A_134 : vector<64x128xf32>
    %slice3A_136 = vector.extract_strided_slice %mul3A_110 {offsets = [0, 1664], sizes = [64, 128], strides = [1, 1]} : vector<64x4096xf32> to vector<64x128xf32>
    %add3A_137 = arith.addf %add3A_135, %slice3A_136 : vector<64x128xf32>
    %slice3A_138 = vector.extract_strided_slice %mul3A_110 {offsets = [0, 1792], sizes = [64, 128], strides = [1, 1]} : vector<64x4096xf32> to vector<64x128xf32>
    %add3A_139 = arith.addf %add3A_137, %slice3A_138 : vector<64x128xf32>
    %slice3A_140 = vector.extract_strided_slice %mul3A_110 {offsets = [0, 1920], sizes = [64, 128], strides = [1, 1]} : vector<64x4096xf32> to vector<64x128xf32>
    %add3A_141 = arith.addf %add3A_139, %slice3A_140 : vector<64x128xf32>
    %slice3A_142 = vector.extract_strided_slice %mul3A_110 {offsets = [0, 2048], sizes = [64, 128], strides = [1, 1]} : vector<64x4096xf32> to vector<64x128xf32>
    %add3A_143 = arith.addf %add3A_141, %slice3A_142 : vector<64x128xf32>
    %slice3A_144 = vector.extract_strided_slice %mul3A_110 {offsets = [0, 2176], sizes = [64, 128], strides = [1, 1]} : vector<64x4096xf32> to vector<64x128xf32>
    %add3A_145 = arith.addf %add3A_143, %slice3A_144 : vector<64x128xf32>
    %slice3A_146 = vector.extract_strided_slice %mul3A_110 {offsets = [0, 2304], sizes = [64, 128], strides = [1, 1]} : vector<64x4096xf32> to vector<64x128xf32>
    %add3A_147 = arith.addf %add3A_145, %slice3A_146 : vector<64x128xf32>
    %slice3A_148 = vector.extract_strided_slice %mul3A_110 {offsets = [0, 2432], sizes = [64, 128], strides = [1, 1]} : vector<64x4096xf32> to vector<64x128xf32>
    %add3A_149 = arith.addf %add3A_147, %slice3A_148 : vector<64x128xf32>
    %slice3A_150 = vector.extract_strided_slice %mul3A_110 {offsets = [0, 2560], sizes = [64, 128], strides = [1, 1]} : vector<64x4096xf32> to vector<64x128xf32>
    %add3A_151 = arith.addf %add3A_149, %slice3A_150 : vector<64x128xf32>
    %slice3A_152 = vector.extract_strided_slice %mul3A_110 {offsets = [0, 2688], sizes = [64, 128], strides = [1, 1]} : vector<64x4096xf32> to vector<64x128xf32>
    %add3A_153 = arith.addf %add3A_151, %slice3A_152 : vector<64x128xf32>
    %slice3A_154 = vector.extract_strided_slice %mul3A_110 {offsets = [0, 2816], sizes = [64, 128], strides = [1, 1]} : vector<64x4096xf32> to vector<64x128xf32>
    %add3A_155 = arith.addf %add3A_153, %slice3A_154 : vector<64x128xf32>
    %slice3A_156 = vector.extract_strided_slice %mul3A_110 {offsets = [0, 2944], sizes = [64, 128], strides = [1, 1]} : vector<64x4096xf32> to vector<64x128xf32>
    %add3A_157 = arith.addf %add3A_155, %slice3A_156 : vector<64x128xf32>
    %slice3A_158 = vector.extract_strided_slice %mul3A_110 {offsets = [0, 3072], sizes = [64, 128], strides = [1, 1]} : vector<64x4096xf32> to vector<64x128xf32>
    %add3A_159 = arith.addf %add3A_157, %slice3A_158 : vector<64x128xf32>
    %slice3A_160 = vector.extract_strided_slice %mul3A_110 {offsets = [0, 3200], sizes = [64, 128], strides = [1, 1]} : vector<64x4096xf32> to vector<64x128xf32>
    %add3A_161 = arith.addf %add3A_159, %slice3A_160 : vector<64x128xf32>
    %slice3A_162 = vector.extract_strided_slice %mul3A_110 {offsets = [0, 3328], sizes = [64, 128], strides = [1, 1]} : vector<64x4096xf32> to vector<64x128xf32>
    %add3A_163 = arith.addf %add3A_161, %slice3A_162 : vector<64x128xf32>
    %slice3A_164 = vector.extract_strided_slice %mul3A_110 {offsets = [0, 3456], sizes = [64, 128], strides = [1, 1]} : vector<64x4096xf32> to vector<64x128xf32>
    %add3A_165 = arith.addf %add3A_163, %slice3A_164 : vector<64x128xf32>
    %slice3A_166 = vector.extract_strided_slice %mul3A_110 {offsets = [0, 3584], sizes = [64, 128], strides = [1, 1]} : vector<64x4096xf32> to vector<64x128xf32>
    %add3A_167 = arith.addf %add3A_165, %slice3A_166 : vector<64x128xf32>
    %slice3A_168 = vector.extract_strided_slice %mul3A_110 {offsets = [0, 3712], sizes = [64, 128], strides = [1, 1]} : vector<64x4096xf32> to vector<64x128xf32>
    %add3A_169 = arith.addf %add3A_167, %slice3A_168 : vector<64x128xf32>
    %slice3A_170 = vector.extract_strided_slice %mul3A_110 {offsets = [0, 3840], sizes = [64, 128], strides = [1, 1]} : vector<64x4096xf32> to vector<64x128xf32>
    %add3A_171 = arith.addf %add3A_169, %slice3A_170 : vector<64x128xf32>
    %slice3A_172 = vector.extract_strided_slice %mul3A_110 {offsets = [0, 3968], sizes = [64, 128], strides = [1, 1]} : vector<64x4096xf32> to vector<64x128xf32>
    %add3A_173 = arith.addf %add3A_171, %slice3A_172 : vector<64x128xf32>
    %slice3A_174 = vector.extract_strided_slice %add3A_173 {offsets = [0, 0], sizes = [64, 8], strides = [1, 1]} : vector<64x128xf32> to vector<64x8xf32>
    %slice3A_175 = vector.extract_strided_slice %add3A_173 {offsets = [0, 8], sizes = [64, 8], strides = [1, 1]} : vector<64x128xf32> to vector<64x8xf32>
    %add3A_176 = arith.addf %slice3A_174, %slice3A_175 : vector<64x8xf32>
    %slice3A_177 = vector.extract_strided_slice %add3A_173 {offsets = [0, 16], sizes = [64, 8], strides = [1, 1]} : vector<64x128xf32> to vector<64x8xf32>
    %add3A_178 = arith.addf %add3A_176, %slice3A_177 : vector<64x8xf32>
    %slice3A_179 = vector.extract_strided_slice %add3A_173 {offsets = [0, 24], sizes = [64, 8], strides = [1, 1]} : vector<64x128xf32> to vector<64x8xf32>
    %add3A_180 = arith.addf %add3A_178, %slice3A_179 : vector<64x8xf32>
    %slice3A_181 = vector.extract_strided_slice %add3A_173 {offsets = [0, 32], sizes = [64, 8], strides = [1, 1]} : vector<64x128xf32> to vector<64x8xf32>
    %add3A_182 = arith.addf %add3A_180, %slice3A_181 : vector<64x8xf32>
    %slice3A_183 = vector.extract_strided_slice %add3A_173 {offsets = [0, 40], sizes = [64, 8], strides = [1, 1]} : vector<64x128xf32> to vector<64x8xf32>
    %add3A_184 = arith.addf %add3A_182, %slice3A_183 : vector<64x8xf32>
    %slice3A_185 = vector.extract_strided_slice %add3A_173 {offsets = [0, 48], sizes = [64, 8], strides = [1, 1]} : vector<64x128xf32> to vector<64x8xf32>
    %add3A_186 = arith.addf %add3A_184, %slice3A_185 : vector<64x8xf32>
    %slice3A_187 = vector.extract_strided_slice %add3A_173 {offsets = [0, 56], sizes = [64, 8], strides = [1, 1]} : vector<64x128xf32> to vector<64x8xf32>
    %add3A_188 = arith.addf %add3A_186, %slice3A_187 : vector<64x8xf32>
    %slice3A_189 = vector.extract_strided_slice %add3A_173 {offsets = [0, 64], sizes = [64, 8], strides = [1, 1]} : vector<64x128xf32> to vector<64x8xf32>
    %add3A_190 = arith.addf %add3A_188, %slice3A_189 : vector<64x8xf32>
    %slice3A_191 = vector.extract_strided_slice %add3A_173 {offsets = [0, 72], sizes = [64, 8], strides = [1, 1]} : vector<64x128xf32> to vector<64x8xf32>
    %add3A_192 = arith.addf %add3A_190, %slice3A_191 : vector<64x8xf32>
    %slice3A_193 = vector.extract_strided_slice %add3A_173 {offsets = [0, 80], sizes = [64, 8], strides = [1, 1]} : vector<64x128xf32> to vector<64x8xf32>
    %add3A_194 = arith.addf %add3A_192, %slice3A_193 : vector<64x8xf32>
    %slice3A_195 = vector.extract_strided_slice %add3A_173 {offsets = [0, 88], sizes = [64, 8], strides = [1, 1]} : vector<64x128xf32> to vector<64x8xf32>
    %add3A_196 = arith.addf %add3A_194, %slice3A_195 : vector<64x8xf32>
    %slice3A_197 = vector.extract_strided_slice %add3A_173 {offsets = [0, 96], sizes = [64, 8], strides = [1, 1]} : vector<64x128xf32> to vector<64x8xf32>
    %add3A_198 = arith.addf %add3A_196, %slice3A_197 : vector<64x8xf32>
    %slice3A_199 = vector.extract_strided_slice %add3A_173 {offsets = [0, 104], sizes = [64, 8], strides = [1, 1]} : vector<64x128xf32> to vector<64x8xf32>
    %add3A_200 = arith.addf %add3A_198, %slice3A_199 : vector<64x8xf32>
    %slice3A_201 = vector.extract_strided_slice %add3A_173 {offsets = [0, 112], sizes = [64, 8], strides = [1, 1]} : vector<64x128xf32> to vector<64x8xf32>
    %add3A_202 = arith.addf %add3A_200, %slice3A_201 : vector<64x8xf32>
    %slice3A_203 = vector.extract_strided_slice %add3A_173 {offsets = [0, 120], sizes = [64, 8], strides = [1, 1]} : vector<64x128xf32> to vector<64x8xf32>
    %add3A_204 = arith.addf %add3A_202, %slice3A_203 : vector<64x8xf32>
    %slice3A_205 = vector.extract_strided_slice %add3A_204 {offsets = [0, 0], sizes = [64, 4], strides = [1, 1]} : vector<64x8xf32> to vector<64x4xf32>
    %slice3A_206 = vector.extract_strided_slice %add3A_204 {offsets = [0, 4], sizes = [64, 4], strides = [1, 1]} : vector<64x8xf32> to vector<64x4xf32>
    %add3A_207 = arith.addf %slice3A_205, %slice3A_206 : vector<64x4xf32>
    %slice3A_208 = vector.extract_strided_slice %add3A_207 {offsets = [0, 0], sizes = [64, 2], strides = [1, 1]} : vector<64x4xf32> to vector<64x2xf32>
    %slice3A_209 = vector.extract_strided_slice %add3A_207 {offsets = [0, 2], sizes = [64, 2], strides = [1, 1]} : vector<64x4xf32> to vector<64x2xf32>
    %add3A_210 = arith.addf %slice3A_208, %slice3A_209 : vector<64x2xf32>
    %slice3A_211 = vector.extract_strided_slice %add3A_210 {offsets = [0, 0], sizes = [64, 1], strides = [1, 1]} : vector<64x2xf32> to vector<64x1xf32>
    %slice3A_212 = vector.extract_strided_slice %add3A_210 {offsets = [0, 1], sizes = [64, 1], strides = [1, 1]} : vector<64x2xf32> to vector<64x1xf32>
    %add3A_213 = arith.addf %slice3A_211, %slice3A_212 : vector<64x1xf32>
    %max3A_214 = arith.constant 9.99999996E-13 : f32
    %max3A_215 = vector.broadcast %max3A_214 : f32 to vector<64x1xf32>
    %max3A_216 = arith.maximumf %add3A_213, %max3A_215 : vector<64x1xf32>
    %rsqrt3A_217 = math.rsqrt %max3A_216 : vector<64x1xf32>
    %mul3A_218 = vector.broadcast %rsqrt3A_217 : vector<64x1xf32> to vector<64x4096xf32>
    %mul3A_219 = arith.mulf %get3A_109, %mul3A_218 : vector<64x4096xf32>
    %dot_general3A = arith.constant dense<0.000000e+00> : vector<4x64xf32>
    %dot_general3A_220 = tpu.matmul %mul3A_106, %mul3A_219, %dot_general3A {dimension_numbers = #tpu.dot_dimension_numbers<[1], [1], [0], [0], [0, 0, 1, 0], [], []>, transpose_lhs_hint = false} : vector<4x4096xf32>, vector<64x4096xf32>, vector<4x64xf32> -> vector<4x64xf32>
    %iota3A = tpu.iota {dimensions = array<i32: 1>} : vector<4x64xi32>
    %reduce_max3A = arith.constant dense<0xFF800000> : vector<4xf32>
    %reduce_max3A_221 = vector.multi_reduction <maximumf>, %dot_general3A_220, %reduce_max3A [1] : vector<4x64xf32> to vector<4xf32>
    %broadcast_in_dim3A = vector.shape_cast %reduce_max3A_221 : vector<4xf32> to vector<4x1xf32>
    %ge3A = vector.broadcast %broadcast_in_dim3A : vector<4x1xf32> to vector<4x64xf32>
    %ge3A_222 = arith.cmpf oge, %dot_general3A_220, %ge3A : vector<4x64xf32>
    %jit3A = arith.constant 64 : i32
    %broadcast_in_dim3A_223 = vector.broadcast %jit3A : i32 to vector<4x64xi32>
    %select_n3A = arith.select %ge3A_222, %iota3A, %broadcast_in_dim3A_223 : vector<4x64xi1>, vector<4x64xi32>
    %reduce_min3A = arith.constant dense<2147483647> : vector<4xi32>
    %reduce_min3A_224 = vector.multi_reduction <minsi>, %select_n3A, %reduce_min3A [1] : vector<4x64xi32> to vector<4xi32>
    %broadcast_in_dim3A_225 = vector.shape_cast %reduce_min3A_224 : vector<4xi32> to vector<4x1xi32>
    %eq3A = vector.broadcast %broadcast_in_dim3A_225 : vector<4x1xi32> to vector<4x64xi32>
    %eq3A_226 = arith.cmpi eq, %iota3A, %eq3A : vector<4x64xi32>
    %jit3A_227 = arith.constant 0xFF800000 : f32
    %broadcast_in_dim3A_228 = vector.broadcast %jit3A_227 : f32 to vector<4x64xf32>
    %select_n3A_229 = arith.select %eq3A_226, %broadcast_in_dim3A_228, %dot_general3A_220 : vector<4x64xi1>, vector<4x64xf32>
    %reduce_max3A_230 = arith.constant dense<0xFF800000> : vector<4xf32>
    %reduce_max3A_231 = vector.multi_reduction <maximumf>, %select_n3A_229, %reduce_max3A_230 [1] : vector<4x64xf32> to vector<4xf32>
    %broadcast_in_dim3A_232 = vector.shape_cast %reduce_max3A_231 : vector<4xf32> to vector<4x1xf32>
    %ge3A_233 = vector.broadcast %broadcast_in_dim3A_232 : vector<4x1xf32> to vector<4x64xf32>
    %ge3A_234 = arith.cmpf oge, %select_n3A_229, %ge3A_233 : vector<4x64xf32>
    %jit3A_235 = arith.constant 64 : i32
    %broadcast_in_dim3A_236 = vector.broadcast %jit3A_235 : i32 to vector<4x64xi32>
    %select_n3A_237 = arith.select %ge3A_234, %iota3A, %broadcast_in_dim3A_236 : vector<4x64xi1>, vector<4x64xi32>
    %reduce_min3A_238 = arith.constant dense<2147483647> : vector<4xi32>
    %reduce_min3A_239 = vector.multi_reduction <minsi>, %select_n3A_237, %reduce_min3A_238 [1] : vector<4x64xi32> to vector<4xi32>
    %broadcast_in_dim3A_240 = vector.shape_cast %reduce_min3A_239 : vector<4xi32> to vector<4x1xi32>
    %eq3A_241 = vector.broadcast %broadcast_in_dim3A_240 : vector<4x1xi32> to vector<4x64xi32>
    %eq3A_242 = arith.cmpi eq, %iota3A, %eq3A_241 : vector<4x64xi32>
    %jit3A_243 = arith.constant 0xFF800000 : f32
    %broadcast_in_dim3A_244 = vector.broadcast %jit3A_243 : f32 to vector<4x64xf32>
    %select_n3A_245 = arith.select %eq3A_242, %broadcast_in_dim3A_244, %select_n3A_229 : vector<4x64xi1>, vector<4x64xf32>
    %reduce_max3A_246 = arith.constant dense<0xFF800000> : vector<4xf32>
    %reduce_max3A_247 = vector.multi_reduction <maximumf>, %select_n3A_245, %reduce_max3A_246 [1] : vector<4x64xf32> to vector<4xf32>
    %broadcast_in_dim3A_248 = vector.shape_cast %reduce_max3A_247 : vector<4xf32> to vector<4x1xf32>
    %ge3A_249 = vector.broadcast %broadcast_in_dim3A_248 : vector<4x1xf32> to vector<4x64xf32>
    %ge3A_250 = arith.cmpf oge, %select_n3A_245, %ge3A_249 : vector<4x64xf32>
    %jit3A_251 = arith.constant 64 : i32
    %broadcast_in_dim3A_252 = vector.broadcast %jit3A_251 : i32 to vector<4x64xi32>
    %select_n3A_253 = arith.select %ge3A_250, %iota3A, %broadcast_in_dim3A_252 : vector<4x64xi1>, vector<4x64xi32>
    %reduce_min3A_254 = arith.constant dense<2147483647> : vector<4xi32>
    %reduce_min3A_255 = vector.multi_reduction <minsi>, %select_n3A_253, %reduce_min3A_254 [1] : vector<4x64xi32> to vector<4xi32>
    %broadcast_in_dim3A_256 = vector.shape_cast %reduce_min3A_255 : vector<4xi32> to vector<4x1xi32>
    %eq3A_257 = vector.broadcast %broadcast_in_dim3A_256 : vector<4x1xi32> to vector<4x64xi32>
    %eq3A_258 = arith.cmpi eq, %iota3A, %eq3A_257 : vector<4x64xi32>
    %jit3A_259 = arith.constant 0xFF800000 : f32
    %broadcast_in_dim3A_260 = vector.broadcast %jit3A_259 : f32 to vector<4x64xf32>
    %select_n3A_261 = arith.select %eq3A_258, %broadcast_in_dim3A_260, %select_n3A_245 : vector<4x64xi1>, vector<4x64xf32>
    %reduce_max3A_262 = arith.constant dense<0xFF800000> : vector<4xf32>
    %reduce_max3A_263 = vector.multi_reduction <maximumf>, %select_n3A_261, %reduce_max3A_262 [1] : vector<4x64xf32> to vector<4xf32>
    %broadcast_in_dim3A_264 = vector.shape_cast %reduce_max3A_263 : vector<4xf32> to vector<4x1xf32>
    %ge3A_265 = vector.broadcast %broadcast_in_dim3A_264 : vector<4x1xf32> to vector<4x64xf32>
    %ge3A_266 = arith.cmpf oge, %select_n3A_261, %ge3A_265 : vector<4x64xf32>
    %jit3A_267 = arith.constant 64 : i32
    %broadcast_in_dim3A_268 = vector.broadcast %jit3A_267 : i32 to vector<4x64xi32>
    %select_n3A_269 = arith.select %ge3A_266, %iota3A, %broadcast_in_dim3A_268 : vector<4x64xi1>, vector<4x64xi32>
    %reduce_min3A_270 = arith.constant dense<2147483647> : vector<4xi32>
    %reduce_min3A_271 = vector.multi_reduction <minsi>, %select_n3A_269, %reduce_min3A_270 [1] : vector<4x64xi32> to vector<4xi32>
    %broadcast_in_dim3A_272 = vector.shape_cast %reduce_min3A_271 : vector<4xi32> to vector<4x1xi32>
    %eq3A_273 = vector.broadcast %broadcast_in_dim3A_272 : vector<4x1xi32> to vector<4x64xi32>
    %eq3A_274 = arith.cmpi eq, %iota3A, %eq3A_273 : vector<4x64xi32>
    %jit3A_275 = arith.constant 0xFF800000 : f32
    %broadcast_in_dim3A_276 = vector.broadcast %jit3A_275 : f32 to vector<4x64xf32>
    %select_n3A_277 = arith.select %eq3A_274, %broadcast_in_dim3A_276, %select_n3A_261 : vector<4x64xi1>, vector<4x64xf32>
    %reduce_max3A_278 = arith.constant dense<0xFF800000> : vector<4xf32>
    %reduce_max3A_279 = vector.multi_reduction <maximumf>, %select_n3A_277, %reduce_max3A_278 [1] : vector<4x64xf32> to vector<4xf32>
    %broadcast_in_dim3A_280 = vector.shape_cast %reduce_max3A_279 : vector<4xf32> to vector<4x1xf32>
    %ge3A_281 = vector.broadcast %broadcast_in_dim3A_280 : vector<4x1xf32> to vector<4x64xf32>
    %ge3A_282 = arith.cmpf oge, %select_n3A_277, %ge3A_281 : vector<4x64xf32>
    %jit3A_283 = arith.constant 64 : i32
    %broadcast_in_dim3A_284 = vector.broadcast %jit3A_283 : i32 to vector<4x64xi32>
    %select_n3A_285 = arith.select %ge3A_282, %iota3A, %broadcast_in_dim3A_284 : vector<4x64xi1>, vector<4x64xi32>
    %reduce_min3A_286 = arith.constant dense<2147483647> : vector<4xi32>
    %reduce_min3A_287 = vector.multi_reduction <minsi>, %select_n3A_285, %reduce_min3A_286 [1] : vector<4x64xi32> to vector<4xi32>
    %broadcast_in_dim3A_288 = vector.shape_cast %reduce_min3A_287 : vector<4xi32> to vector<4x1xi32>
    %eq3A_289 = vector.broadcast %broadcast_in_dim3A_288 : vector<4x1xi32> to vector<4x64xi32>
    %eq3A_290 = arith.cmpi eq, %iota3A, %eq3A_289 : vector<4x64xi32>
    %jit3A_291 = arith.constant 0xFF800000 : f32
    %broadcast_in_dim3A_292 = vector.broadcast %jit3A_291 : f32 to vector<4x64xf32>
    %select_n3A_293 = arith.select %eq3A_290, %broadcast_in_dim3A_292, %select_n3A_277 : vector<4x64xi1>, vector<4x64xf32>
    %reduce_max3A_294 = arith.constant dense<0xFF800000> : vector<4xf32>
    %reduce_max3A_295 = vector.multi_reduction <maximumf>, %select_n3A_293, %reduce_max3A_294 [1] : vector<4x64xf32> to vector<4xf32>
    %broadcast_in_dim3A_296 = vector.shape_cast %reduce_max3A_295 : vector<4xf32> to vector<4x1xf32>
    %ge3A_297 = vector.broadcast %broadcast_in_dim3A_296 : vector<4x1xf32> to vector<4x64xf32>
    %ge3A_298 = arith.cmpf oge, %select_n3A_293, %ge3A_297 : vector<4x64xf32>
    %jit3A_299 = arith.constant 64 : i32
    %broadcast_in_dim3A_300 = vector.broadcast %jit3A_299 : i32 to vector<4x64xi32>
    %select_n3A_301 = arith.select %ge3A_298, %iota3A, %broadcast_in_dim3A_300 : vector<4x64xi1>, vector<4x64xi32>
    %reduce_min3A_302 = arith.constant dense<2147483647> : vector<4xi32>
    %reduce_min3A_303 = vector.multi_reduction <minsi>, %select_n3A_301, %reduce_min3A_302 [1] : vector<4x64xi32> to vector<4xi32>
    %broadcast_in_dim3A_304 = vector.shape_cast %reduce_min3A_303 : vector<4xi32> to vector<4x1xi32>
    %eq3A_305 = vector.broadcast %broadcast_in_dim3A_304 : vector<4x1xi32> to vector<4x64xi32>
    %eq3A_306 = arith.cmpi eq, %iota3A, %eq3A_305 : vector<4x64xi32>
    %jit3A_307 = arith.constant 0xFF800000 : f32
    %broadcast_in_dim3A_308 = vector.broadcast %jit3A_307 : f32 to vector<4x64xf32>
    %select_n3A_309 = arith.select %eq3A_306, %broadcast_in_dim3A_308, %select_n3A_293 : vector<4x64xi1>, vector<4x64xf32>
    %reduce_max3A_310 = arith.constant dense<0xFF800000> : vector<4xf32>
    %reduce_max3A_311 = vector.multi_reduction <maximumf>, %select_n3A_309, %reduce_max3A_310 [1] : vector<4x64xf32> to vector<4xf32>
    %broadcast_in_dim3A_312 = vector.shape_cast %reduce_max3A_311 : vector<4xf32> to vector<4x1xf32>
    %ge3A_313 = vector.broadcast %broadcast_in_dim3A_312 : vector<4x1xf32> to vector<4x64xf32>
    %ge3A_314 = arith.cmpf oge, %select_n3A_309, %ge3A_313 : vector<4x64xf32>
    %jit3A_315 = arith.constant 64 : i32
    %broadcast_in_dim3A_316 = vector.broadcast %jit3A_315 : i32 to vector<4x64xi32>
    %select_n3A_317 = arith.select %ge3A_314, %iota3A, %broadcast_in_dim3A_316 : vector<4x64xi1>, vector<4x64xi32>
    %reduce_min3A_318 = arith.constant dense<2147483647> : vector<4xi32>
    %reduce_min3A_319 = vector.multi_reduction <minsi>, %select_n3A_317, %reduce_min3A_318 [1] : vector<4x64xi32> to vector<4xi32>
    %broadcast_in_dim3A_320 = vector.shape_cast %reduce_min3A_319 : vector<4xi32> to vector<4x1xi32>
    %eq3A_321 = vector.broadcast %broadcast_in_dim3A_320 : vector<4x1xi32> to vector<4x64xi32>
    %eq3A_322 = arith.cmpi eq, %iota3A, %eq3A_321 : vector<4x64xi32>
    %jit3A_323 = arith.constant 0xFF800000 : f32
    %broadcast_in_dim3A_324 = vector.broadcast %jit3A_323 : f32 to vector<4x64xf32>
    %select_n3A_325 = arith.select %eq3A_322, %broadcast_in_dim3A_324, %select_n3A_309 : vector<4x64xi1>, vector<4x64xf32>
    %reduce_max3A_326 = arith.constant dense<0xFF800000> : vector<4xf32>
    %reduce_max3A_327 = vector.multi_reduction <maximumf>, %select_n3A_325, %reduce_max3A_326 [1] : vector<4x64xf32> to vector<4xf32>
    %broadcast_in_dim3A_328 = vector.shape_cast %reduce_max3A_327 : vector<4xf32> to vector<4x1xf32>
    %ge3A_329 = vector.broadcast %broadcast_in_dim3A_328 : vector<4x1xf32> to vector<4x64xf32>
    %ge3A_330 = arith.cmpf oge, %select_n3A_325, %ge3A_329 : vector<4x64xf32>
    %jit3A_331 = arith.constant 64 : i32
    %broadcast_in_dim3A_332 = vector.broadcast %jit3A_331 : i32 to vector<4x64xi32>
    %select_n3A_333 = arith.select %ge3A_330, %iota3A, %broadcast_in_dim3A_332 : vector<4x64xi1>, vector<4x64xi32>
    %reduce_min3A_334 = arith.constant dense<2147483647> : vector<4xi32>
    %reduce_min3A_335 = vector.multi_reduction <minsi>, %select_n3A_333, %reduce_min3A_334 [1] : vector<4x64xi32> to vector<4xi32>
    %broadcast_in_dim3A_336 = vector.shape_cast %reduce_min3A_335 : vector<4xi32> to vector<4x1xi32>
    %iota3A_337 = tpu.iota {dimensions = array<i32: 1>} : vector<4x8x2x8xi32>
    %iota3A_338 = tpu.iota {dimensions = array<i32: 2>} : vector<4x8x2x8xi32>
    %mul3A_339 = arith.constant 8 : i32
    %mul3A_340 = vector.broadcast %mul3A_339 : i32 to vector<4x8x2x8xi32>
    %mul3A_341 = arith.muli %iota3A_338, %mul3A_340 : vector<4x8x2x8xi32>
    %iota3A_342 = tpu.iota {dimensions = array<i32: 3>} : vector<4x8x2x8xi32>
    %add3A_343 = arith.addi %mul3A_341, %iota3A_342 : vector<4x8x2x8xi32>
    %broadcast_in_dim3A_344 = arith.constant 0 : i32
    %broadcast_in_dim3A_345 = vector.broadcast %broadcast_in_dim3A_344 : i32 to vector<4x8x2x8xi32>
    %eq3A_346 = arith.constant 0 : i32
    %eq3A_347 = vector.broadcast %eq3A_346 : i32 to vector<4x8x2x8xi32>
    %eq3A_348 = arith.cmpi eq, %iota3A_337, %eq3A_347 : vector<4x8x2x8xi32>
    %broadcast_in_dim3A_349 = vector.shape_cast %broadcast_in_dim3A_225 : vector<4x1xi32> to vector<4x1x1x1xi32>
    %broadcast_in_dim3A_350 = vector.shape_cast %broadcast_in_dim3A_349 : vector<4x1x1x1xi32> to vector<4x1x1x1xi32>
    %broadcast_in_dim3A_351 = vector.broadcast %broadcast_in_dim3A_350 : vector<4x1x1x1xi32> to vector<4x8x2x8xi32>
    %select_n3A_352 = arith.select %eq3A_348, %broadcast_in_dim3A_351, %broadcast_in_dim3A_345 : vector<4x8x2x8xi1>, vector<4x8x2x8xi32>
    %eq3A_353 = arith.constant 1 : i32
    %eq3A_354 = vector.broadcast %eq3A_353 : i32 to vector<4x8x2x8xi32>
    %eq3A_355 = arith.cmpi eq, %iota3A_337, %eq3A_354 : vector<4x8x2x8xi32>
    %broadcast_in_dim3A_356 = vector.shape_cast %broadcast_in_dim3A_240 : vector<4x1xi32> to vector<4x1x1x1xi32>
    %broadcast_in_dim3A_357 = vector.shape_cast %broadcast_in_dim3A_356 : vector<4x1x1x1xi32> to vector<4x1x1x1xi32>
    %broadcast_in_dim3A_358 = vector.broadcast %broadcast_in_dim3A_357 : vector<4x1x1x1xi32> to vector<4x8x2x8xi32>
    %select_n3A_359 = arith.select %eq3A_355, %broadcast_in_dim3A_358, %select_n3A_352 : vector<4x8x2x8xi1>, vector<4x8x2x8xi32>
    %eq3A_360 = arith.constant 2 : i32
    %eq3A_361 = vector.broadcast %eq3A_360 : i32 to vector<4x8x2x8xi32>
    %eq3A_362 = arith.cmpi eq, %iota3A_337, %eq3A_361 : vector<4x8x2x8xi32>
    %broadcast_in_dim3A_363 = vector.shape_cast %broadcast_in_dim3A_256 : vector<4x1xi32> to vector<4x1x1x1xi32>
    %broadcast_in_dim3A_364 = vector.shape_cast %broadcast_in_dim3A_363 : vector<4x1x1x1xi32> to vector<4x1x1x1xi32>
    %broadcast_in_dim3A_365 = vector.broadcast %broadcast_in_dim3A_364 : vector<4x1x1x1xi32> to vector<4x8x2x8xi32>
    %select_n3A_366 = arith.select %eq3A_362, %broadcast_in_dim3A_365, %select_n3A_359 : vector<4x8x2x8xi1>, vector<4x8x2x8xi32>
    %eq3A_367 = arith.constant 3 : i32
    %eq3A_368 = vector.broadcast %eq3A_367 : i32 to vector<4x8x2x8xi32>
    %eq3A_369 = arith.cmpi eq, %iota3A_337, %eq3A_368 : vector<4x8x2x8xi32>
    %broadcast_in_dim3A_370 = vector.shape_cast %broadcast_in_dim3A_272 : vector<4x1xi32> to vector<4x1x1x1xi32>
    %broadcast_in_dim3A_371 = vector.shape_cast %broadcast_in_dim3A_370 : vector<4x1x1x1xi32> to vector<4x1x1x1xi32>
    %broadcast_in_dim3A_372 = vector.broadcast %broadcast_in_dim3A_371 : vector<4x1x1x1xi32> to vector<4x8x2x8xi32>
    %select_n3A_373 = arith.select %eq3A_369, %broadcast_in_dim3A_372, %select_n3A_366 : vector<4x8x2x8xi1>, vector<4x8x2x8xi32>
    %eq3A_374 = arith.constant 4 : i32
    %eq3A_375 = vector.broadcast %eq3A_374 : i32 to vector<4x8x2x8xi32>
    %eq3A_376 = arith.cmpi eq, %iota3A_337, %eq3A_375 : vector<4x8x2x8xi32>
    %broadcast_in_dim3A_377 = vector.shape_cast %broadcast_in_dim3A_288 : vector<4x1xi32> to vector<4x1x1x1xi32>
    %broadcast_in_dim3A_378 = vector.shape_cast %broadcast_in_dim3A_377 : vector<4x1x1x1xi32> to vector<4x1x1x1xi32>
    %broadcast_in_dim3A_379 = vector.broadcast %broadcast_in_dim3A_378 : vector<4x1x1x1xi32> to vector<4x8x2x8xi32>
    %select_n3A_380 = arith.select %eq3A_376, %broadcast_in_dim3A_379, %select_n3A_373 : vector<4x8x2x8xi1>, vector<4x8x2x8xi32>
    %eq3A_381 = arith.constant 5 : i32
    %eq3A_382 = vector.broadcast %eq3A_381 : i32 to vector<4x8x2x8xi32>
    %eq3A_383 = arith.cmpi eq, %iota3A_337, %eq3A_382 : vector<4x8x2x8xi32>
    %broadcast_in_dim3A_384 = vector.shape_cast %broadcast_in_dim3A_304 : vector<4x1xi32> to vector<4x1x1x1xi32>
    %broadcast_in_dim3A_385 = vector.shape_cast %broadcast_in_dim3A_384 : vector<4x1x1x1xi32> to vector<4x1x1x1xi32>
    %broadcast_in_dim3A_386 = vector.broadcast %broadcast_in_dim3A_385 : vector<4x1x1x1xi32> to vector<4x8x2x8xi32>
    %select_n3A_387 = arith.select %eq3A_383, %broadcast_in_dim3A_386, %select_n3A_380 : vector<4x8x2x8xi1>, vector<4x8x2x8xi32>
    %eq3A_388 = arith.constant 6 : i32
    %eq3A_389 = vector.broadcast %eq3A_388 : i32 to vector<4x8x2x8xi32>
    %eq3A_390 = arith.cmpi eq, %iota3A_337, %eq3A_389 : vector<4x8x2x8xi32>
    %broadcast_in_dim3A_391 = vector.shape_cast %broadcast_in_dim3A_320 : vector<4x1xi32> to vector<4x1x1x1xi32>
    %broadcast_in_dim3A_392 = vector.shape_cast %broadcast_in_dim3A_391 : vector<4x1x1x1xi32> to vector<4x1x1x1xi32>
    %broadcast_in_dim3A_393 = vector.broadcast %broadcast_in_dim3A_392 : vector<4x1x1x1xi32> to vector<4x8x2x8xi32>
    %select_n3A_394 = arith.select %eq3A_390, %broadcast_in_dim3A_393, %select_n3A_387 : vector<4x8x2x8xi1>, vector<4x8x2x8xi32>
    %eq3A_395 = arith.constant 7 : i32
    %eq3A_396 = vector.broadcast %eq3A_395 : i32 to vector<4x8x2x8xi32>
    %eq3A_397 = arith.cmpi eq, %iota3A_337, %eq3A_396 : vector<4x8x2x8xi32>
    %broadcast_in_dim3A_398 = vector.shape_cast %broadcast_in_dim3A_336 : vector<4x1xi32> to vector<4x1x1x1xi32>
    %broadcast_in_dim3A_399 = vector.shape_cast %broadcast_in_dim3A_398 : vector<4x1x1x1xi32> to vector<4x1x1x1xi32>
    %broadcast_in_dim3A_400 = vector.broadcast %broadcast_in_dim3A_399 : vector<4x1x1x1xi32> to vector<4x8x2x8xi32>
    %select_n3A_401 = arith.select %eq3A_397, %broadcast_in_dim3A_400, %select_n3A_394 : vector<4x8x2x8xi1>, vector<4x8x2x8xi32>
    %mul3A_402 = arith.constant 16 : i32
    %mul3A_403 = vector.broadcast %mul3A_402 : i32 to vector<4x8x2x8xi32>
    %mul3A_404 = arith.muli %select_n3A_401, %mul3A_403 : vector<4x8x2x8xi32>
    %add3A_405 = arith.addi %mul3A_404, %add3A_343 : vector<4x8x2x8xi32>
    %swap3A = arith.constant 0 : index
    %swap3A_406 = arith.constant 0 : index
    %swap3A_407 = arith.constant 0 : index
    %swap3A_408 = arith.constant 0 : index
    %swap3A_409 = vector.load %arg2[%swap3A, %swap3A_406, %swap3A_407, %swap3A_408] : memref<4x8x2x8xi32, #tpu.memory_space<vmem>>, vector<4x8x2x8xi32>
    tpu.vector_store %arg2[%swap3A, %swap3A_406, %swap3A_407, %swap3A_408], %add3A_405 {strides = array<i32>} : memref<4x8x2x8xi32, #tpu.memory_space<vmem>>, vector<4x8x2x8xi32>,
    return
  }
}

</mosaic_0001>

<sc_bundles>
// kernel: kernel.5.cloned.1.call-start
scs
__scs_entry_jumppad:
0x0: {  	(pc) =	sbr.rel $0x88, $3  }
0x1: {  	(tag) =	ssettag $0x0;
	lr =	simm.s32 $0x1  }
0x2: {  	[smem:$0x3F9E] =	sst lr;
	_ =	strace $0xD0000000  }
0x3: {  	_ = 	snop  }
0x4: {  	_ = 	snop  }
0x5: {  	_ = 	snop  }
0x6: {  	_ = 	snop  }
0x7: {  	_ = 	snop  }
__scs_overlays_trampoline_lowered:
0x8: {  	[smem:$0x3FAD] =	sst s0  }
0x9: {  	[smem:$0x3FAE] =	sst s1  }
0xa: {  	[smem:$0x3FAF] =	sst s2  }
0xb: {  	[smem:$0x3FB0] =	sst s3  }
0xc: {  	[smem:$0x3FB1] =	sst s4  }
0xd: {  	[smem:$0x3FB2] =	sst s5  }
0xe: {  	[smem:$0x3FB3] =	sst s6  }
0xf: {  	[smem:$0x3FB4] =	sst s7  }
0x10: {  	[smem:$0x3FB5] =	sst s8  }
0x11: {  	[smem:$0x3FB6] =	sst s9;
	s0 =	simm.s32 @!p0 $0x0  }
0x12: {  	s1 =	sld [smem:$0x3F9C];
	s0 =	simm.s32 @p0 $0x1  }
0x13: {  	[smem:$0x3FB7] =	sst s0;
	s0 =	simm.s32 @!p1 $0x0  }
0x14: {  	s2 =	sld [smem:$0x3F9B];
	s0 =	simm.s32 @p1 $0x1  }
0x15: {  	[smem:$0x3FB8] =	sst s0;
	s0 =	simm.s32 @!p2 $0x0  }
0x16: {  	s3 =	sld [smem:$0x3FDB];
	s0 =	simm.s32 @p2 $0x1  }
0x17: {  	s4 =	simm.s32 $0x1BF5;
	[smem:$0x3FBA] =	sst s0  }
0x18: {  	s0 =	sld [smem:$0x3F9D];
	_ =	swait.ge [sflag:s4], $0x0  }
0x19: {  	s7 =	sld [smem:$0x3F9E]  }
0x1a: {  	s8 =	sadd.s32 $0xFFFFE003, lr  }
0x1b: {  	s9 =	sadd.s32 $0xFFFFFEF7, lr;
	s5 =	simm.s32 $0xFFFFFFFF;
	p2 =	slt.u32 s8, $0xFFFFF086  }
0x1c: {  	p1 =	slt.u32 s9, $0xF7A;
	s5 =	simm.s32 @!p2 $0x0  }
0x1d: {  	s5 =	simm.s32 @p1 $0x1;
	p0 =	seq.s32 s7, s2  }
0x1e: {  	s7 =	smul.u32 @!p0 $0xF7A, s2;
	p2 =	seq.s32 @!p0 s5, $0x0  }
0x1f: {  	s9 =	smul.u32 $0xF7A, s1;
	s8 =	simm.s32 @!p0 $0x1BF5;
	p2 =	por !p2, p0  }
0x20: {  	[sflag:s8] =	ssyncset.s32 @!p0 $0xFFFFF086;
	s6 =	sadd.s32 @!p0 s3, s7;
	s7 =	simm.s32 @!p0 $0x108  }
0x21: {  	s3 =	sadd.s32 s3, s9;
	s6 =	sadd.s32 @!p0 $0x88, s6;
	s7 =	simm.s32 @p2 $0x1082  }
0x22: {  	[simem:s7], [sflag:s8] =	dma.local @!p0 [hbm:s6], $0xF7A  }
0x23: {  	s9 =	sor.u32 $0xD0000000, s2;
	s6 =	simm.s32 $0x108;
	_ =	swait.ge @!p0 [sflag:s8], $0x0  }
0x24: {  	s3 =	sadd.s32 $0x88, s3;
	s6 =	simm.s32 @!p1 $0x1082;
	[sflag:s4] =	ssyncset.s32 $0xFFFFF086  }
0x25: {  	[simem:s6], [sflag:s4] =	dma.local [hbm:s3], $0xF7A  }
0x26: {  	[smem:$0x3F9E] =	sst s1;
	(tag) =	ssettag s2;
	_ =	strace s9  }
0x27: {  	s1 =	sld [smem:$0x3FAE]  }
0x28: {  	s2 =	sld [smem:$0x3FAF]  }
0x29: {  	s4 =	sld [smem:$0x3FB1]  }
0x2a: {  	p0 =	seq.s32 s5, $0x0;
	s5 =	sld [smem:$0x3FB2]  }
0x2b: {  	s6 =	sld [smem:$0x3FB3]  }
0x2c: {  	s7 =	sld [smem:$0x3FB4]  }
0x2d: {  	s3 =	simm.s32 $0x108;
	s8 =	sld [smem:$0x3FB5]  }
0x2e: {  	s3 =	simm.s32 @!p0 $0x1082;
	s9 =	sld [smem:$0x3FB6]  }
0x2f: {  	lr =	sadd.s32 s0, s3;
	s0 =	sld [smem:$0x3FAD]  }
0x30: {  	s3 =	sld [smem:$0x3FB0]  }
0x31: {  	[smem:$0x3FB9] =	sst s10  }
0x32: {  	s10 =	sld [smem:$0x3FB7];
	_ =	sdelay $0x3  }
0x33: {  	p0 =	seq.s32 s10, $0x1;
	s10 =	sld [smem:$0x3FB9];
	_ =	sdelay $0x3  }
0x34: {  	[smem:$0x3FB9] =	sst s10  }
0x35: {  	s10 =	sld [smem:$0x3FB8];
	_ =	sdelay $0x3  }
0x36: {  	p1 =	seq.s32 s10, $0x1;
	s10 =	sld [smem:$0x3FB9];
	_ =	sdelay $0x3  }
0x37: {  	[smem:$0x3FB9] =	sst s10  }
0x38: {  	s10 =	sld [smem:$0x3FBA]  }
0x39: {  	_ = 	snop;
	(pc) =	sbr.ind lr, $3  }
0x3a: {  	_ = 	snop  }
0x3b: {  	_ = 	snop  }
0x3c: {  	p2 =	seq.s32 s10, $0x1;
	s10 =	sld [smem:$0x3FB9]  }
0x3d: {  	_ =	shalt  }
0x3e: {  	_ =	shalt  }
0x3f: {  	_ =	shalt  }
0x40: {  	_ =	shalt  }
0x41: {  	_ =	shalt  }
0x42: {  	_ =	shalt  }
0x43: {  	_ =	shalt  }
0x44: {  	_ =	shalt  }
0x45: {  	_ =	shalt  }
0x46: {  	_ =	shalt  }
0x47: {  	_ =	shalt  }
0x48: {  	_ =	shalt  }
0x49: {  	_ =	shalt  }
0x4a: {  	_ =	shalt  }
0x4b: {  	_ =	shalt  }
0x4c: {  	_ =	shalt  }
0x4d: {  	_ =	shalt  }
0x4e: {  	_ =	shalt  }
0x4f: {  	_ =	shalt  }
0x50: {  	_ =	shalt  }
0x51: {  	_ =	shalt  }
0x52: {  	_ =	shalt  }
0x53: {  	_ =	shalt  }
0x54: {  	_ =	shalt  }
0x55: {  	_ =	shalt  }
0x56: {  	_ =	shalt  }
0x57: {  	_ =	shalt  }
0x58: {  	_ =	shalt  }
0x59: {  	_ =	shalt  }
0x5a: {  	_ =	shalt  }
0x5b: {  	_ =	shalt  }
0x5c: {  	_ =	shalt  }
0x5d: {  	_ =	shalt  }
0x5e: {  	_ =	shalt  }
0x5f: {  	_ =	shalt  }
0x60: {  	_ =	shalt  }
0x61: {  	_ =	shalt  }
0x62: {  	_ =	shalt  }
0x63: {  	_ =	shalt  }
0x64: {  	_ =	shalt  }
0x65: {  	_ =	shalt  }
0x66: {  	_ =	shalt  }
0x67: {  	_ =	shalt  }
0x68: {  	_ =	shalt  }
0x69: {  	_ =	shalt  }
0x6a: {  	_ =	shalt  }
0x6b: {  	_ =	shalt  }
0x6c: {  	_ =	shalt  }
0x6d: {  	_ =	shalt  }
0x6e: {  	_ =	shalt  }
0x6f: {  	_ =	shalt  }
0x70: {  	_ =	shalt  }
0x71: {  	_ =	shalt  }
0x72: {  	_ =	shalt  }
0x73: {  	_ =	shalt  }
0x74: {  	_ =	shalt  }
0x75: {  	_ =	shalt  }
0x76: {  	_ =	shalt  }
0x77: {  	_ =	shalt  }
0x78: {  	_ =	shalt  }
0x79: {  	_ =	shalt  }
0x7a: {  	_ =	shalt  }
0x7b: {  	_ =	shalt  }
0x7c: {  	_ =	shalt  }
0x7d: {  	_ =	shalt  }
0x7e: {  	_ =	shalt  }
0x7f: {  	_ =	shalt  }
0x80: {  	_ =	shalt  }
0x81: {  	_ =	shalt  }
0x82: {  	_ =	shalt  }
0x83: {  	_ =	shalt  }
0x84: {  	_ =	shalt  }
0x85: {  	_ =	shalt  }
0x86: {  	_ =	shalt  }
0x87: {  	_ =	shalt  }
.Lfunc_end0:
.L_simem_size_0:
called_computation_lowered:
.L_overlay_start_0:
0x88: {  	s2 =	sld [smem:$0x3FD9]  }
0x89: {  	s3 =	sld [smem:$0x3FFE];
	_ =	sdelay $0x1  }
0x8a: {  	s1 =	srdreg.scid  }
0x8b: {  	s0 =	sand.u32 $0x1, s1  }
0x8c: {  	s14 =	sshll.u32 s0, $0xA;
	s2 =	sadd.s32 s3, s2  }
0x8d: {  	s2 =	sadd.s32 s2, s14  }
0x8e: {  	[smem:$0x3FC5] =	sst s2  }
0x8f: {  	_ = 	snop  }
0x90: {  	s2 =	sld [smem:$0x3FD0];
	_ =	sdelay $0x2  }
0x91: {  	s4 =	simm.s32 $0xA;
	s5 =	simm.s32 $0x10;
	s15 =	sld [smem:$0x3FC8]  }
0x92: {  	[smem:s5], [sflag:s4] =	dma.local [hbm:s2], $0x1  }
0x93: {  	_ =	swait.eq [sflag:s4], $0x1  }
0x94: {  	[sflag:s4] =	ssyncset.done $0x0  }
0x95: {  	[sflag:s4] =	ssyncadd.s32 $0xFFFFFFFF  }
0x96: {  	s16 =	sld [smem:$0x10];
	(tm) =	ssettm $0x1  }
0x97: {  	s17 =	sld [smem:$0x3FFB];
	_ =	sdelay $0x3  }
0x98: {  	_ =	strace s17  }
0x99: {  	s4 =	sld [smem:$0x3FFC];
	_ =	sdelay $0x3  }
0x9a: {  	_ =	strace s4  }
0x9b: {  	s4 =	sld [smem:$0x3FFD];
	_ =	sdelay $0x3  }
0x9c: {  	_ =	strace s4  }
0x9d: {  	_ =	strace $0x8FFFFFFF  }
0x9e: {  	s18 =	sld [smem:$0x3FDB];
	_ =	sdelay $0x1  }
0x9f: {  	s19 =	simm.s32 $_scs_section_size  }
0xa0: {  	s6 =	simm.s32 $_size__tile_overlayer_lowered;
	s7 =	simm.s32 $_tile_overlayer_lowered  }
0xa1: {  	s22 =	simm.s32 $0x1BFF;
	s21 =	sshll.u32 s7, $0x1;
	s4 =	sadd.s32 s19, s18  }
0xa2: {  	s8 =	simm.s32 $0x0;
	s20 =	sshll.u32 s6, $0x1;
	s6 =	sadd.s32 s21, s4  }
0xa3: {  	[timem:s8], [sflag:s22] =	dma.local [hbm:s6], s20  }
0xa4: {  	_ =	swait.ge [sflag:s22], s20  }
0xa5: {  	s5 =	ssub.s32 $0x0, s20;
	[sflag:s22] =	ssyncset.done $0x0  }
0xa6: {  	[sflag:s22] =	ssyncadd.s32 s5;
	_ =	sdelay $0x1  }
0xa7: {  	s23 =	simm.s32 $0x1B8B  }
0xa8: {  	_ =	swait.ge [sflag:s23], $0x1  }
0xa9: {  	[sflag:s23] =	ssyncset.done $0x0  }
0xaa: {  	s25 =	simm.s32 $0x1B8E;
	s24 =	sld [smem:$0x3FFE];
	[sflag:s23] =	ssyncadd.s32 $0xFFFFFFFF  }
0xab: {  	s26 =	simm.s32 $execute0_lowered;
	[smem:$0x3FD2] =	sst s25  }
0xac: {  	s6 =	sshll.u32 s26, $0x1;
	_ =	strace $0x80000046;
	[dreg:$0x1] =	wrdreg $0xFFFFFFFF  }
0xad: {  	s28 =	simm.s32 $_size_execute0_lowered;
	s4 =	sadd.s32 s4, s6;
	[dreg:$0x0] =	wrdreg $0x0  }
0xae: {  	s6 =	sshll.u32 s28, $0x1;
	[dreg:$0x2] =	wrdreg s4  }
0xaf: {  	[dreg:$0x3] =	wrdreg s6  }
0xb0: {  	[dreg:$0x4] =	wrdreg $0xC0  }
0xb1: {  	_ =	task [dreg:s8], $0x5FFFF  }
0xb2: {  	[dreg:$0x1] =	wrdreg $0xFFFFFFFF  }
0xb3: {  	[dreg:$0x0] =	wrdreg $0x60  }
0xb4: {  	[dreg:$0x2] =	wrdreg s24  }
0xb5: {  	[dreg:$0x3] =	wrdreg s15  }
0xb6: {  	[dreg:$0x4] =	wrdreg s16  }
0xb7: {  	[dreg:$0x5] =	wrdreg $0x9  }
0xb8: {  	_ =	task.clear_ibuf [dreg:s8], $0x6FFFF;
	_ =	strace $0x90000046  }
0xb9: {  	s29 =	simm.s32 $0x9;
	_ =	strace $0x80000048  }
0xba: {  	_ =	swait.ge [sflag:s29], $0x1  }
0xbb: {  	[sflag:s29] =	ssyncadd.s32 $0xFFFFFFFF  }
0xbc: {  	_ =	strace $0x90000048  }
0xbd: {  	_ =	sfence  }
0xbe: {  	s30 =	sld [smem:$0x0];
	_ =	sdelay $0x2  }
0xbf: {  	s31 =	sshll.u32 s1, $0xD;
	s1 =	sshrl.u32 s1, $0x2  }
0xc0: {  	s3 =	sand.u32 $0x4000, s31;
	s1 =	sadd.s32 s1, s30  }
0xc1: {  	s0 =	sor.u32 s3, s0;
	s1 =	sshll.u32 s1, $0x11  }
0xc2: {  	s0 =	sor.u32 s1, s0  }
0xc3: {  	s0 =	sadd.s32 $0x8F2B, s0  }
0xc4: {  	[sflag:s0] =	ssyncadd.remote.s32 $0x1  }
0xc5: {  	_ =	sfence.sel $0xFFFF  }
0xc6: {  	[dreg:$0x0] =	wrdreg $0xFFFFFFFF;
	(pc) =	sbr.abs _section_cstart, $3  }
0xc7: {  	[dreg:$0x1] =	wrdreg $0xFFFFFFFF  }
0xc8: {  	_ =	task.clear_ibuf [dreg:s8], $0x2FFFF;
	_ =	strace $0x9FFFFFFF  }
0xc9: {  	(tm) =	ssettm $0x7FFFFFFF  }
tec
execute0_lowered:
.L_overlay_start_1:
0x0: {  	(tag) =	ssettag $0x1  }
0x1: {  	s1 =	rddreg [dreg:$0x0]  }
0x2: {  	s0 =	stileid.u32;
	s2 =	rddreg [dreg:$0x1]  }
0x3: {  	s3 =	srdreg.scid;
	s4 =	rddreg [dreg:$0x2]  }
0x4: {  	s21 =	simm.s32 $0x900;
	s22 =	simm.s32 $0x1100;
	s23 =	simm.s32 $0x1900  }
0x5: {  	s24 =	simm.s32 $0x2100;
	s25 =	simm.s32 $0x2900;
	s9 =	simm.s32 $0x5100  }
0x6: {  	s10 =	simm.s32 $0x5900;
	s5 =	sand.u32 $0x1, s3;
	s3 =	simm.s32 $0x0  }
0x7: {  	s11 =	simm.s32 $0x6100;
	s12 =	simm.s32 $0x6900;
	[smem:$0x7FF] =	sst s3  }
0x8: {  	s13 =	simm.s32 $0x7100;
	_ =	strace $0x80000047;
	[dreg:$0x6] =	wrdreg s21  }
0x9: {  	s14 =	simm.s32 $0x7900;
	s15 =	simm.s32 $0x8900;
	[dreg:$0x7] =	wrdreg s22  }
0xa: {  	s16 =	simm.s32 $0x9100;
	s28 =	simm.s32 $0xF900;
	[dreg:$0x8] =	wrdreg s23  }
0xb: {  	s29 =	simm.s32 $0x1;
	s17 =	sshll.u32 s0, $0x1;
	[dreg:$0x9] =	wrdreg s24  }
0xc: {  	s6 =	sshll.u32 s0, $0x6;
	s0 =	simm.s32 $0x3100;
	[dreg:$0xa] =	wrdreg s25  }
0xd: {  	s30 =	simm.s32 $0x2;
	s31 =	simm.s32 $0x3;
	[dreg:$0xb] =	wrdreg s0  }
0xe: {  	s7 =	sor.u32 s5, s17;
	s6 =	sand.u32 $0x300, s6;
	[dreg:$0xf] =	wrdreg s9  }
0xf: {  	s5 =	ssub.s32 $0x2, s5;
	s17 =	simm.s32 $0x9900;
	[dreg:$0x10] =	wrdreg s10  }
0x10: {  	s8 =	sshll.u32 s7, $0x5;
	s1 =	sadd.s32 s6, s1;
	[dreg:$0x11] =	wrdreg s11  }
0x11: {  	s19 =	sshll.u32 s7, $0xD;
	s26 =	sshrl.u32 s5, $0x1;
	[dreg:$0x12] =	wrdreg s12  }
0x12: {  	s6 =	simm.s32 $0x3900;
	s7 =	simm.s32 $0x4100;
	[dreg:$0x13] =	wrdreg s13  }
0x13: {  	s9 =	sadd.s32 $0x500, s2;
	s10 =	sadd.s32 $0x600, s2;
	[dreg:$0x14] =	wrdreg s14  }
0x14: {  	s11 =	sadd.s32 $0x700, s2;
	s12 =	sadd.s32 $0x800, s2;
	[dreg:$0x15] =	wrdreg s15  }
0x15: {  	s13 =	sadd.s32 $0x900, s2;
	s14 =	sadd.s32 $0xA00, s2;
	[dreg:$0x16] =	wrdreg s16  }
0x16: {  	s15 =	sadd.s32 $0xB00, s2;
	s16 =	sadd.s32 $0xC00, s2;
	[dreg:$0x17] =	wrdreg s17  }
0x17: {  	s17 =	sadd.s32 $0xD00, s2;
	s21 =	simm.s32 $0xB100;
	s22 =	simm.s32 $0xB900  }
0x18: {  	s23 =	simm.s32 $0xC100;
	s24 =	simm.s32 $0xC900;
	[dreg:$0xc] =	wrdreg s6  }
0x19: {  	s25 =	simm.s32 $0xD100;
	s18 =	sand.u32 $0xE0, s8;
	[dreg:$0xd] =	wrdreg s7  }
0x1a: {  	s4 =	sadd.s32 s4, s19;
	s6 =	sadd.s32 $0x200, s2;
	[dreg:$0x1a] =	wrdreg s21  }
0x1b: {  	s8 =	simm.s32 $0x4900;
	s7 =	sadd.s32 $0x300, s2;
	[dreg:$0x1b] =	wrdreg s22  }
0x1c: {  	s19 =	simm.s32 $0xA900;
	s21 =	simm.s32 $0x5;
	[dreg:$0x1c] =	wrdreg s23  }
0x1d: {  	s22 =	simm.s32 $0x100;
	[dreg:$0x1d] =	wrdreg s24;
	s23 =	simm.s32 $0x8100  }
0x1e: {  	[dreg:$0x1e] =	wrdreg s25;
	s25 =	simm.s32 $0xE900;
	s1 =	sadd.s32 s18, s1  }
0x1f: {  	s20 =	sadd.s32 $0x1000, s4;
	[dreg:$0xe] =	wrdreg s8;
	s8 =	sadd.s32 $0x400, s2  }
0x20: {  	s18 =	simm.s32 $0xA100;
	[dreg:$0x19] =	wrdreg s19;
	s19 =	sadd.s32 $0xF00, s2  }
0x21: {  	s1 =	sadd.s32 $0xA00, s1;
	[dreg:$0x5] =	wrdreg s20;
	s20 =	ssub.s32 s5, s26  }
0x22: {  	v0 =	vlaneseq.u32;
	s5 =	sadd.s32 $0x100, s2;
	[dreg:$0x18] =	wrdreg s18;
	s18 =	sadd.s32 $0xE00, s2  }
0x23: {  	v1 =	vshrl.u32 v0, $0x3;
	s26 =	simm.s32 $0xD900;
	[dreg:$0x4] =	wrdreg s1;
	s20 =	smax.u32 s20, $0x1  }
0x24: {  	vm0 =	vmmov $0xffff;
	v0 =	vand.u32 $0x7, v0;
	v1 =	vmul.u32 $0x8, v1;
	[dreg:$0x1f] =	wrdreg s26;
	s26 =	simm.s32 $0xF100;
	s1 =	simm.s32 $0x4  }
.LBB2_1:
0x25: {  	s0 =	rddreg [dreg:$0x4]  }
0x26: {  	[tilespmem:s3], [sflag:$0x5] =	stream.linear.gather [hbm4b:s0+s3], $0x100, $0x38;
	[tilespmem:$0x10100] =	vst v63  }
0x27: {  	_ =	swait.ge [sflag:s21], $0x100  }
0x28: {  	[sflag:s21] =	ssyncset.done $0x0  }
0x29: {  	[sflag:s21] =	ssyncadd.s32 $0xFFFFFF00  }
0x2a: {  	v2 =	vld.msk [tilespmem:$0x0], $0xff;
	_ =	sdelay $0x4  }
0x2b: {  	v3 =	vshll.u32 v2, $0x5  }
0x2c: {  	v2 =	vand.u32 $0x7, v2;
	v3 =	vand.u32 $0xFFFFFF00, v3  }
0x2d: {  	v2 =	vor.u32 v2, v3  }
0x2e: {  	v2 =	vperm.xlane v2, v0;
	_ =	sdelay $0x1  }
0x2f: {  	v2 =	vadd.s32 v1, v2;
	_ =	sdelay $0x4  }
0x30: {  	[tilespmem:s22], [sflag:$0x1] =	stream.indirect_vreg.gather [hbm4b:s2+s3], $0x80, v2, vm0, $0xb8;
	[tilespmem:$0x10100] =	vst v63  }
0x31: {  	s0 =	rddreg [dreg:$0x6]  }
0x32: {  	[tilespmem:s0], [sflag:$0x1] =	stream.indirect_vreg.gather [hbm4b:s5+s3], $0x80, v2, vm0, $0xb8;
	[tilespmem:$0x10100] =	vst v63  }
0x33: {  	s24 =	rddreg [dreg:$0x7]  }
0x34: {  	[tilespmem:s24], [sflag:$0x1] =	stream.indirect_vreg.gather [hbm4b:s6+s3], $0x80, v2, vm0, $0xb8;
	[tilespmem:$0x10100] =	vst v63  }
0x35: {  	s0 =	rddreg [dreg:$0x8]  }
0x36: {  	[tilespmem:s0], [sflag:$0x1] =	stream.indirect_vreg.gather [hbm4b:s7+s3], $0x80, v2, vm0, $0xb8;
	[tilespmem:$0x10100] =	vst v63  }
0x37: {  	s24 =	rddreg [dreg:$0x9]  }
0x38: {  	[tilespmem:s24], [sflag:$0x1] =	stream.indirect_vreg.gather [hbm4b:s8+s3], $0x80, v2, vm0, $0xb8;
	[tilespmem:$0x10100] =	vst v63  }
0x39: {  	s0 =	rddreg [dreg:$0xa]  }
0x3a: {  	[tilespmem:s0], [sflag:$0x1] =	stream.indirect_vreg.gather [hbm4b:s9+s3], $0x80, v2, vm0, $0xb8;
	[tilespmem:$0x10100] =	vst v63  }
0x3b: {  	s24 =	rddreg [dreg:$0xb]  }
0x3c: {  	[tilespmem:s24], [sflag:$0x1] =	stream.indirect_vreg.gather [hbm4b:s10+s3], $0x80, v2, vm0, $0xb8;
	[tilespmem:$0x10100] =	vst v63  }
0x3d: {  	s0 =	rddreg [dreg:$0xc]  }
0x3e: {  	[tilespmem:s0], [sflag:$0x1] =	stream.indirect_vreg.gather [hbm4b:s11+s3], $0x80, v2, vm0, $0xb8;
	[tilespmem:$0x10100] =	vst v63  }
0x3f: {  	s24 =	rddreg [dreg:$0xd]  }
0x40: {  	[tilespmem:s24], [sflag:$0x1] =	stream.indirect_vreg.gather [hbm4b:s12+s3], $0x80, v2, vm0, $0xb8;
	[tilespmem:$0x10100] =	vst v63  }
0x41: {  	s0 =	rddreg [dreg:$0xe]  }
0x42: {  	[tilespmem:s0], [sflag:$0x1] =	stream.indirect_vreg.gather [hbm4b:s13+s3], $0x80, v2, vm0, $0xb8;
	[tilespmem:$0x10100] =	vst v63  }
0x43: {  	s24 =	rddreg [dreg:$0xf]  }
0x44: {  	[tilespmem:s24], [sflag:$0x1] =	stream.indirect_vreg.gather [hbm4b:s14+s3], $0x80, v2, vm0, $0xb8;
	[tilespmem:$0x10100] =	vst v63  }
0x45: {  	s0 =	rddreg [dreg:$0x10]  }
0x46: {  	[tilespmem:s0], [sflag:$0x1] =	stream.indirect_vreg.gather [hbm4b:s15+s3], $0x80, v2, vm0, $0xb8;
	[tilespmem:$0x10100] =	vst v63  }
0x47: {  	s24 =	rddreg [dreg:$0x11]  }
0x48: {  	[tilespmem:s24], [sflag:$0x1] =	stream.indirect_vreg.gather [hbm4b:s16+s3], $0x80, v2, vm0, $0xb8;
	[tilespmem:$0x10100] =	vst v63  }
0x49: {  	s0 =	rddreg [dreg:$0x12]  }
0x4a: {  	[tilespmem:s0], [sflag:$0x1] =	stream.indirect_vreg.gather [hbm4b:s17+s3], $0x80, v2, vm0, $0xb8;
	[tilespmem:$0x10100] =	vst v63  }
0x4b: {  	s24 =	rddreg [dreg:$0x13]  }
0x4c: {  	[tilespmem:s24], [sflag:$0x1] =	stream.indirect_vreg.gather [hbm4b:s18+s3], $0x80, v2, vm0, $0xb8;
	[tilespmem:$0x10100] =	vst v63  }
0x4d: {  	s0 =	rddreg [dreg:$0x14]  }
0x4e: {  	[tilespmem:s0], [sflag:$0x1] =	stream.indirect_vreg.gather [hbm4b:s19+s3], $0x80, v2, vm0, $0xb8;
	[tilespmem:$0x10100] =	vst v63  }
0x4f: {  	v2 =	vld.msk [tilespmem:$0x80], $0xff;
	_ =	sdelay $0x4  }
0x50: {  	v3 =	vshll.u32 v2, $0x5  }
0x51: {  	v2 =	vand.u32 $0x7, v2;
	v3 =	vand.u32 $0xFFFFFF00, v3  }
0x52: {  	v2 =	vor.u32 v2, v3  }
0x53: {  	v2 =	vperm.xlane v2, v0;
	_ =	sdelay $0x1  }
0x54: {  	v2 =	vadd.s32 v1, v2;
	_ =	sdelay $0x4  }
0x55: {  	[tilespmem:s23], [sflag:$0x2] =	stream.indirect_vreg.gather [hbm4b:s2+s3], $0x80, v2, vm0, $0xb8;
	[tilespmem:$0x10100] =	vst v63  }
0x56: {  	s0 =	rddreg [dreg:$0x15]  }
0x57: {  	[tilespmem:s0], [sflag:$0x2] =	stream.indirect_vreg.gather [hbm4b:s5+s3], $0x80, v2, vm0, $0xb8;
	[tilespmem:$0x10100] =	vst v63  }
0x58: {  	s24 =	rddreg [dreg:$0x16]  }
0x59: {  	[tilespmem:s24], [sflag:$0x2] =	stream.indirect_vreg.gather [hbm4b:s6+s3], $0x80, v2, vm0, $0xb8;
	[tilespmem:$0x10100] =	vst v63  }
0x5a: {  	s0 =	rddreg [dreg:$0x17]  }
0x5b: {  	[tilespmem:s0], [sflag:$0x2] =	stream.indirect_vreg.gather [hbm4b:s7+s3], $0x80, v2, vm0, $0xb8;
	[tilespmem:$0x10100] =	vst v63  }
0x5c: {  	s24 =	rddreg [dreg:$0x18]  }
0x5d: {  	[tilespmem:s24], [sflag:$0x2] =	stream.indirect_vreg.gather [hbm4b:s8+s3], $0x80, v2, vm0, $0xb8;
	[tilespmem:$0x10100] =	vst v63  }
0x5e: {  	s0 =	rddreg [dreg:$0x19]  }
0x5f: {  	[tilespmem:s0], [sflag:$0x2] =	stream.indirect_vreg.gather [hbm4b:s9+s3], $0x80, v2, vm0, $0xb8;
	[tilespmem:$0x10100] =	vst v63  }
0x60: {  	s24 =	rddreg [dreg:$0x1a]  }
0x61: {  	[tilespmem:s24], [sflag:$0x2] =	stream.indirect_vreg.gather [hbm4b:s10+s3], $0x80, v2, vm0, $0xb8;
	[tilespmem:$0x10100] =	vst v63  }
0x62: {  	s0 =	rddreg [dreg:$0x1b]  }
0x63: {  	[tilespmem:s0], [sflag:$0x2] =	stream.indirect_vreg.gather [hbm4b:s11+s3], $0x80, v2, vm0, $0xb8;
	[tilespmem:$0x10100] =	vst v63  }
0x64: {  	s24 =	rddreg [dreg:$0x1c]  }
0x65: {  	[tilespmem:s24], [sflag:$0x2] =	stream.indirect_vreg.gather [hbm4b:s12+s3], $0x80, v2, vm0, $0xb8;
	[tilespmem:$0x10100] =	vst v63  }
0x66: {  	s0 =	rddreg [dreg:$0x1d]  }
0x67: {  	[tilespmem:s0], [sflag:$0x2] =	stream.indirect_vreg.gather [hbm4b:s13+s3], $0x80, v2, vm0, $0xb8;
	[tilespmem:$0x10100] =	vst v63  }
0x68: {  	s24 =	rddreg [dreg:$0x1e]  }
0x69: {  	[tilespmem:s24], [sflag:$0x2] =	stream.indirect_vreg.gather [hbm4b:s14+s3], $0x80, v2, vm0, $0xb8;
	[tilespmem:$0x10100] =	vst v63  }
0x6a: {  	s0 =	rddreg [dreg:$0x1f]  }
0x6b: {  	[tilespmem:s0], [sflag:$0x2] =	stream.indirect_vreg.gather [hbm4b:s15+s3], $0x80, v2, vm0, $0xb8;
	[tilespmem:$0x10100] =	vst v63  }
0x6c: {  	s24 =	simm.s32 $0xE100  }
0x6d: {  	[tilespmem:s24], [sflag:$0x2] =	stream.indirect_vreg.gather [hbm4b:s16+s3], $0x80, v2, vm0, $0xb8;
	[tilespmem:$0x10100] =	vst v63  }
0x6e: {  	_ = 	snop  }
0x6f: {  	[tilespmem:s25], [sflag:$0x2] =	stream.indirect_vreg.gather [hbm4b:s17+s3], $0x80, v2, vm0, $0xb8;
	[tilespmem:$0x10100] =	vst v63  }
0x70: {  	_ = 	snop  }
0x71: {  	[tilespmem:s26], [sflag:$0x2] =	stream.indirect_vreg.gather [hbm4b:s18+s3], $0x80, v2, vm0, $0xb8;
	[tilespmem:$0x10100] =	vst v63  }
0x72: {  	_ = 	snop  }
0x73: {  	[tilespmem:s28], [sflag:$0x2] =	stream.indirect_vreg.gather [hbm4b:s19+s3], $0x80, v2, vm0, $0xb8;
	[tilespmem:$0x10100] =	vst v63  }
0x74: {  	_ =	swait.ge [sflag:s29], $0x8000  }
0x75: {  	[sflag:s29] =	ssyncset.done $0x0  }
0x76: {  	[sflag:s29] =	ssyncadd.s32 $0xFFFF8000  }
0x77: {  	[hbm4b:s4+s3] =	stream.linear.scatter [tilespmem:s22], [sflag:$0x3], $0x8000, $0x38;
	[tilespmem:$0x10100] =	vst v63  }
0x78: {  	_ =	swait.ge [sflag:s30], $0x8000  }
0x79: {  	[sflag:s30] =	ssyncset.done $0x0  }
0x7a: {  	s24 =	rddreg [dreg:$0x5];
	[sflag:s30] =	ssyncadd.s32 $0xFFFF8000  }
0x7b: {  	[hbm4b:s24+s3] =	stream.linear.scatter [tilespmem:s23], [sflag:$0x4], $0x8000, $0x38;
	[tilespmem:$0x10100] =	vst v63  }
0x7c: {  	p0 =	sne.s32 s20, $0x1;
	_ =	swait.ge [sflag:s31], $0x8000  }
.Ltmp0:
0x7d: {  	[sflag:s31] =	ssyncset.done $0x0;
	(pc) =	sbr.rel @p0 .LBB2_1-.Ltmp0, $4  }
0x7e: {  	[sflag:s31] =	ssyncadd.s32 $0xFFFF8000  }
0x7f: {  	_ =	swait.ge [sflag:s1], $0x8000  }
0x80: {  	[sflag:s1] =	ssyncset.done $0x0  }
0x81: {  	s20 =	sadd.s32 $0xFFFFFFFF, s20;
	[sflag:s1] =	ssyncadd.s32 $0xFFFF8000  }
0x82: {  	_ =	sfence.sel $0x180000  }
0x83: {  	[bflag:$0x0] =	sbarrier.arrive $0xFFFF  }
0x84: {  	_ =	strace $0x90000047  }
0x85: {  	s0 =	stileid.u32;
	[bflag:$0x2] =	sbarrier.arrive $0xFFFF  }
0x86: {  	p0 =	sne.s32 s0, $0x0;
	s0 =	rddreg [dreg:$0x3]  }
0x87: {  	s0 =	sadd.s32 @!p0 $0x100000, s0  }
0x88: {  	[sflag:s0] =	ssyncadd.tile.s32 @!p0 $0x1;
	_ =	shalt  }
.Lfunc_end2:
_tile_overlayer_lowered:
.L_overlay_start_2:
0x89: {  	(tag) =	ssettag $0x2  }
0x8a: {  	s0 =	rddreg [dreg:$0x0];
	s2 =	stileid.u32  }
0x8b: {  	s1 =	rddreg [dreg:$0x1];
	p0 =	sne.s32 s2, $0x0  }
0x8c: {  	s3 =	rddreg [dreg:$0x2];
	[bflag:$0x3] =	sbarrier.arrive $0xFFFF;
	s2 =	simm.s32 @!p0 $0x1C05  }
0x8d: {  	[timem:s3], [sflag:s2] =	dma.local @!p0 [hbm:s0], s1  }
0x8e: {  	s0 =	simm.s32 @!p0 $0x5  }
0x8f: {  	_ =	swait.ge @!p0 [sflag:s0], s1  }
0x90: {  	s1 =	ssub.s32 @!p0 $0x0, s1;
	[sflag:s0] =	ssyncset.done @!p0 $0x0  }
0x91: {  	[sflag:s0] =	ssyncadd.s32 @!p0 s1  }
0x92: {  	[bflag:$0x3] =	sbarrier.arrive $0xFFFF  }
0x93: {  	_ =	shalt  }

</sc_bundles>
